<compile_context>
chip_gen: v7x
topology: tpu7x:2x2x1
jax: 0.10.2.dev20260603
libtpu: 0.0.44.dev20260713+nightly
codegen_flags: <defaults>
</compile_context>

<pallas_src>
import functools

import jax
import jax.numpy as jnp
from jax import lax
from jax.experimental import pallas as pl
from jax.experimental.pallas import tpu as pltpu
from jax.experimental.pallas import tpu_sc as plsc

B = 1024
L = 200
EMB = 64
FEMB = 32
OUT_D = EMB + 2 * FEMB

VOCAB = 1000000
SPLIT = 512000

N = B * L
NC = 2
NS = 16
NW = NC * NS
PER_W = N // NW
C = 128
NCH = PER_W // C
LANES = 16

TR = 2048
TSTEPS = SPLIT // TR
EDGE = VOCAB // TR


def _tr_kernel(lo_ref, hi_ref, out_ref):
    out_ref[:, 0:EMB] = lo_ref[...].T
    out_ref[:, EMB:OUT_D] = hi_ref[...].T


def _merge_transpose(wtT):
    return pl.pallas_call(
        _tr_kernel,
        grid=(TSTEPS,),
        in_specs=[
            pl.BlockSpec((EMB, TR), lambda k: (0, k)),
            pl.BlockSpec((EMB, TR),
                         lambda k: (0, jnp.where(k + TSTEPS <= EDGE,
                                                 k + TSTEPS, 0))),
        ],
        out_specs=pl.BlockSpec((TR, OUT_D), lambda k: (k, 0)),
        out_shape=jax.ShapeDtypeStruct((SPLIT, OUT_D), jnp.float32),
    )(wtT, wtT)


def _sc_gather(widx, f0idx, f1idx, wt_lin, f0t, f1t):
    mesh = plsc.VectorSubcoreMesh(core_axis_name="c", subcore_axis_name="s")

    @functools.partial(
        pl.kernel,
        out_type=jax.ShapeDtypeStruct((N, OUT_D), jnp.float32),
        mesh=mesh,
        compiler_params=pltpu.CompilerParams(use_tc_tiling_on_sc=False,
                                             needs_layout_passes=False),
        scratch_types=[
            pltpu.VMEM((L, B // NW), jnp.int32),
            pltpu.VMEM((PER_W,), jnp.int32),
            pltpu.VMEM((PER_W,), jnp.int32),
            pltpu.VMEM((PER_W,), jnp.int32),
            pltpu.VMEM((PER_W,), jnp.int32),
            pltpu.VMEM((PER_W,), jnp.int32),
            pltpu.VMEM((2, C, OUT_D), jnp.float32),
            pltpu.VMEM((2, C, OUT_D), jnp.float32),
            pltpu.VMEM((2, C, FEMB), jnp.float32),
            pltpu.VMEM((2, C, FEMB), jnp.float32),
            pltpu.SemaphoreType.DMA,
            pltpu.SemaphoreType.DMA,
            pltpu.SemaphoreType.DMA,
            pltpu.SemaphoreType.DMA,
        ],
    )
    def k(widx_hbm, f0idx_hbm, f1idx_hbm, wt_hbm, f0t_hbm, f1t_hbm,
          out_hbm, blk_v, widx_v, widx2_v, poff_v, f0idx_v, f1idx_v, gbuf,
          obuf, f0rows, f1rows, gsem0, gsem1, osem0, osem1):
        wid = lax.axis_index("s") * NC + lax.axis_index("c")
        i0 = wid * PER_W
        BW = B // NW
        iota16 = lax.iota(jnp.int32, LANES)

        def stage_idx(src_hbm, dst_v):
            pltpu.sync_copy(src_hbm.at[:, pl.ds(wid * BW, BW)], blk_v)

            def debatch(lb, _):
                lbv = iota16 * 0 + lb

                @plsc.parallel_loop(0, L, LANES, unroll=4)
                def _(l):
                    lc = jnp.minimum(l, L - LANES)
                    x = plsc.load_gather(blk_v, [lc + iota16, lbv])
                    dst_v[pl.ds(lb * L + lc, LANES)] = x

                return 0

            lax.fori_loop(0, BW, debatch, 0)

        stage_idx(widx_hbm, widx_v)
        stage_idx(f0idx_hbm, f0idx_v)
        stage_idx(f1idx_hbm, f1idx_v)

        def prep(v, _):
            sl = pl.ds(v * LANES, LANES)
            x = widx_v[sl]
            hi = x >= SPLIT
            widx2_v[sl] = jnp.where(hi, x - SPLIT, x)
            poff_v[sl] = jnp.where(hi, EMB, 0)
            return 0

        lax.fori_loop(0, PER_W // LANES, prep, 0)

        def g_start(j, s, gsem):
            pltpu.async_copy(wt_hbm.at[widx2_v.at[pl.ds(j * C, C)]],
                             gbuf.at[s], gsem)
            pltpu.async_copy(f0t_hbm.at[f0idx_v.at[pl.ds(j * C, C)]],
                             f0rows.at[s], gsem)
            pltpu.async_copy(f1t_hbm.at[f1idx_v.at[pl.ds(j * C, C)]],
                             f1rows.at[s], gsem)

        def g_wait(j, s, gsem):
            pltpu.make_async_copy(wt_hbm.at[widx2_v.at[pl.ds(j * C, C)]],
                                  gbuf.at[s], gsem).wait()
            pltpu.make_async_copy(f0t_hbm.at[f0idx_v.at[pl.ds(j * C, C)]],
                                  f0rows.at[s], gsem).wait()
            pltpu.make_async_copy(f1t_hbm.at[f1idx_v.at[pl.ds(j * C, C)]],
                                  f1rows.at[s], gsem).wait()

        def assemble(j, s):
            iota = lax.iota(jnp.int32, LANES)
            g2d = gbuf.at[s]
            o2d = obuf.at[s]

            def group(g, _):
                pcol = poff_v[pl.ds(j * C + g * LANES, LANES)]
                rows = g * LANES + iota
                zero = pcol * 0

                @plsc.parallel_loop(0, EMB, unroll=8)
                def _(c):
                    x = plsc.load_gather(g2d, [rows, pcol + c])
                    plsc.store_scatter(o2d, [rows, zero + c], x)

                return 0

            lax.fori_loop(0, C // LANES, group, 0)

            @plsc.parallel_loop(0, C, unroll=8)
            def _(r):
                for c in range(FEMB // LANES):
                    obuf[s, r, pl.ds(EMB + c * LANES, LANES)] = (
                        f0rows[s, r, pl.ds(c * LANES, LANES)])
                    obuf[s, r, pl.ds(EMB + FEMB + c * LANES, LANES)] = (
                        f1rows[s, r, pl.ds(c * LANES, LANES)])

        def o_start(j, s, osem):
            pltpu.async_copy(obuf.at[s],
                             out_hbm.at[pl.ds(i0 + j * C, C)], osem)

        def o_wait(s, osem):
            pltpu.make_async_copy(obuf.at[s],
                                  out_hbm.at[pl.ds(i0, C)], osem).wait()

        g_start(0, 0, gsem0)
        g_start(1, 1, gsem1)

        def body(i, _):
            a = 2 * i
            g_wait(a, 0, gsem0)
            assemble(a, 0)
            o_start(a, 0, osem0)
            g_wait(a + 1, 1, gsem1)
            assemble(a + 1, 1)
            o_start(a + 1, 1, osem1)
            o_wait(0, osem0)
            g_start(a + 2, 0, gsem0)
            o_wait(1, osem1)
            g_start(a + 3, 1, gsem1)
            return 0

        lax.fori_loop(0, (NCH - 2) // 2, body, 0)

        g_wait(NCH - 2, 0, gsem0)
        assemble(NCH - 2, 0)
        o_start(NCH - 2, 0, osem0)
        g_wait(NCH - 1, 1, gsem1)
        assemble(NCH - 1, 1)
        o_start(NCH - 1, 1, osem1)
        o_wait(0, osem0)
        o_wait(1, osem1)

    return k(widx, f0idx, f1idx, wt_lin, f0t, f1t)


@jax.jit
def _wordrep(word_inputs, feature_input_0, feature_input_1,
             word_emb_table, feat_table_0, feat_table_1):
    widx = jnp.asarray(word_inputs, jnp.int32).T
    f0idx = jnp.asarray(feature_input_0, jnp.int32).T
    f1idx = jnp.asarray(feature_input_1, jnp.int32).T
    wt_lin = _merge_transpose(word_emb_table.T)
    out = _sc_gather(widx, f0idx, f1idx, wt_lin, feat_table_0, feat_table_1)
    return out.reshape(B, L, OUT_D)


def kernel(word_inputs, feature_input_0, feature_input_1,
           word_emb_table, feat_table_0, feat_table_1):
    return _wordrep(word_inputs, feature_input_0, feature_input_1,
                    word_emb_table, feat_table_0, feat_table_1)

# --- scband reference (transcript-rebuilt; emitter-appended) ---
"""Pipeline reference for scband-word-rep-78735340470747 (READ-ONLY COPY).

The authoritative reference and input builder live on the scoring server;
editing this copy changes nothing except your own understanding.
"""

import jax, jax.numpy as jnp
import numpy as np

VOCAB = 1000000
EMB = 64
FVOCAB = 100000
FEMB = 32
B = 1024
L = 200


def setup_inputs(seed: int = 0) -> dict:
    key = jax.random.key(seed)
    k1, k2, k3, k4, k5, k6 = jax.random.split(key, 6)
    word_inputs = jax.random.randint(k1, (B, L), 0, VOCAB, dtype=jnp.int64 if jax.config.jax_enable_x64 else jnp.int32)
    feature_input_0 = jax.random.randint(k2, (B, L), 0, FVOCAB)
    feature_input_1 = jax.random.randint(k3, (B, L), 0, FVOCAB)
    # random_embedding init from the original module: uniform(-scale, scale), scale = sqrt(3/dim)
    wscale = float(np.sqrt(3.0 / EMB))
    word_emb_table = jax.random.uniform(k4, (VOCAB, EMB), minval=-wscale, maxval=wscale, dtype=jnp.float32)
    fscale = float(np.sqrt(3.0 / FEMB))
    feat_table_0 = jax.random.uniform(k5, (FVOCAB, FEMB), minval=-fscale, maxval=fscale, dtype=jnp.float32)
    feat_table_1 = jax.random.uniform(k6, (FVOCAB, FEMB), minval=-fscale, maxval=fscale, dtype=jnp.float32)
    return {
        "word_inputs": word_inputs,
        "feature_input_0": feature_input_0,
        "feature_input_1": feature_input_1,
        "word_emb_table": word_emb_table,
        "feat_table_0": feat_table_0,
        "feat_table_1": feat_table_1,
    }


def reference(word_inputs, feature_input_0, feature_input_1, word_emb_table, feat_table_0, feat_table_1):
    # WordRep.forward with pretrain=None, use_char=False, sentence_classification=False:
    #   word_embs = self.word_embedding(word_inputs)
    #   word_list = [word_embs] + [feat_emb_i(feature_inputs[i]) for i]
    #   word_represent = self.drop(torch.cat(word_list, 2))  (dropout = identity at eval)
    word_embs = jnp.take(word_emb_table, word_inputs, axis=0)
    f0 = jnp.take(feat_table_0, feature_input_0, axis=0)
    f1 = jnp.take(feat_table_1, feature_input_1, axis=0)
    word_represent = jnp.concatenate([word_embs, f0, f1], axis=-1)
    return word_represent

if __name__ == "__main__":
    import jax
    _d = setup_inputs()
    print(jax.jit(kernel)(*tuple(_d.values())))

</pallas_src>

<mosaic_0001>
#map = affine_map<(d0, d1) -> (0, 0)>
module attributes {stable_mosaic.version = 14 : i64} {
  func.func @k(%arg0: i32, %arg1: i32, %arg2: memref<200x1024xi32, #tpu.memory_space<hbm>>, %arg3: memref<200x1024xi32, #tpu.memory_space<hbm>>, %arg4: memref<200x1024xi32, #tpu.memory_space<hbm>>, %arg5: memref<512000x128xf32, #tpu.memory_space<hbm>>, %arg6: memref<100000x32xf32, #tpu.memory_space<hbm>>, %arg7: memref<100000x32xf32, #tpu.memory_space<hbm>>, %arg8: memref<204800x128xf32, #tpu.memory_space<hbm>>, %arg9: memref<200x32xi32, #tpu.memory_space<vmem>>, %arg10: memref<6400xi32, #tpu.memory_space<vmem>>, %arg11: memref<6400xi32, #tpu.memory_space<vmem>>, %arg12: memref<6400xi32, #tpu.memory_space<vmem>>, %arg13: memref<6400xi32, #tpu.memory_space<vmem>>, %arg14: memref<6400xi32, #tpu.memory_space<vmem>>, %arg15: memref<2x128x128xf32, #tpu.memory_space<vmem>>, %arg16: memref<2x128x128xf32, #tpu.memory_space<vmem>>, %arg17: memref<2x128x32xf32, #tpu.memory_space<vmem>>, %arg18: memref<2x128x32xf32, #tpu.memory_space<vmem>>, %arg19: memref<!tpu.dma_semaphore, #tpu.memory_space<semaphore_mem>>, %arg20: memref<!tpu.dma_semaphore, #tpu.memory_space<semaphore_mem>>, %arg21: memref<!tpu.dma_semaphore, #tpu.memory_space<semaphore_mem>>, %arg22: memref<!tpu.dma_semaphore, #tpu.memory_space<semaphore_mem>>) attributes {dimension_semantics = [#tpu.dimension_semantics<core_parallel>, #tpu.dimension_semantics<subcore_parallel>], iteration_bounds = array<i64: 2, 16>, scalar_prefetch = 0 : i64, scratch_operands = 14 : i64, tpu.core_type = #tpu.core_type<sc_vector_subcore>, window_params = [{transform_indices = #map}, {transform_indices = #map}, {transform_indices = #map}, {transform_indices = #map}, {transform_indices = #map}, {transform_indices = #map}, {transform_indices = #map}]} {
    %mul3A = arith.constant 2 : i32
    %mul3A_0 = arith.muli %arg1, %mul3A : i32
    %add3A = arith.addi %mul3A_0, %arg0 : i32
    %mul3A_1 = arith.constant 6400 : i32
    %mul3A_2 = arith.muli %add3A, %mul3A_1 : i32
    %iota3A = tpu.iota {dimensions = array<i32: 0>} : vector<16xi32>
    %mul3A_3 = arith.constant 32 : i32
    %mul3A_4 = arith.muli %add3A, %mul3A_3 : i32
    "tpu.region"() ({
      %run_scoped3A = tpu.sem_alloc : memref<!tpu.dma_semaphore, #tpu.memory_space<semaphore_mem>>
      %dma_start3A_242 = arith.constant 0 : i32
      %dma_start3A_243 = tpu.memref_slice %arg2[%dma_start3A_242, %mul3A_4] : memref<200x1024xi32, #tpu.memory_space<hbm>> -> memref<200x32xi32, #tpu.memory_space<hbm>>
      %dma_start3A_244 = arith.constant 0 : i32
      %dma_start3A_245 = tpu.memref_slice %arg2[%dma_start3A_244, %mul3A_4] : memref<200x1024xi32, #tpu.memory_space<hbm>> -> memref<200x32xi32, #tpu.memory_space<hbm>>
      tpu.enqueue_dma source(%dma_start3A_245 : memref<200x32xi32, #tpu.memory_space<hbm>>) target(%arg9 : memref<200x32xi32, #tpu.memory_space<vmem>>) target_semaphore(%run_scoped3A : memref<!tpu.dma_semaphore, #tpu.memory_space<semaphore_mem>>)
      %dma_wait3A_246 = arith.constant 0 : i32
      %dma_wait3A_247 = tpu.memref_slice %arg2[%dma_wait3A_246, %mul3A_4] : memref<200x1024xi32, #tpu.memory_space<hbm>> -> memref<200x32xi32, #tpu.memory_space<hbm>>
      %dma_wait3A_248 = arith.constant 0 : i32
      %dma_wait3A_249 = tpu.memref_slice %arg2[%dma_wait3A_248, %mul3A_4] : memref<200x1024xi32, #tpu.memory_space<hbm>> -> memref<200x32xi32, #tpu.memory_space<hbm>>
      tpu.wait_dma2 semaphore(%run_scoped3A : memref<!tpu.dma_semaphore, #tpu.memory_space<semaphore_mem>>) src(%dma_wait3A_249 : memref<200x32xi32, #tpu.memory_space<hbm>>) dst(%arg9 : memref<200x32xi32, #tpu.memory_space<vmem>>)
      tpu.yield
    }) : () -> ()
    %scan3A = arith.constant 0 : i32
    %scan3A_5 = arith.constant 0 : i32
    %scan3A_6 = arith.constant 32 : i32
    %scan3A_7 = arith.addi %scan3A_5, %scan3A_6 : i32
    %scan3A_8 = arith.constant 1 : i32
    %scan3A_9 = scf.for %scan3A_242 = %scan3A_5 to %scan3A_7 step %scan3A_8 iter_args(%scan3A_243 = %scan3A) -> (i32)  : i32 {
      %mul3A_244 = arith.constant 0 : i32
      %mul3A_245 = vector.broadcast %mul3A_244 : i32 to vector<16xi32>
      %mul3A_246 = arith.muli %iota3A, %mul3A_245 : vector<16xi32>
      %add3A_247 = vector.broadcast %scan3A_242 : i32 to vector<16xi32>
      %add3A_248 = arith.addi %mul3A_246, %add3A_247 : vector<16xi32>
      %parallel_loop3A_249 = arith.constant 0 : i32
      %parallel_loop3A_250 = arith.constant 200 : i32
      %parallel_loop3A_251 = arith.constant 16 : i32
      scf.for %parallel_loop3A_253 = %parallel_loop3A_249 to %parallel_loop3A_250 step %parallel_loop3A_251  : i32 {
        %parallel_loop3A_254 = arith.constant 184 : i32
        %parallel_loop3A_255 = arith.minsi %parallel_loop3A_253, %parallel_loop3A_254 : i32
        %parallel_loop3A_256 = vector.broadcast %parallel_loop3A_255 : i32 to vector<16xi32>
        %parallel_loop3A_257 = arith.addi %parallel_loop3A_256, %iota3A : vector<16xi32>
        %parallel_loop3A_258 = tpu.vector_load_idx %arg9[%parallel_loop3A_257, %add3A_248] : memref<200x32xi32, #tpu.memory_space<vmem>>[vector<16xi32>, vector<16xi32>], vector<16xi32>,
        %parallel_loop3A_259 = arith.constant 200 : i32
        %parallel_loop3A_260 = arith.muli %scan3A_242, %parallel_loop3A_259 : i32
        %parallel_loop3A_261 = arith.addi %parallel_loop3A_260, %parallel_loop3A_255 : i32
        %parallel_loop3A_262 = arith.index_cast %parallel_loop3A_261 : i32 to index
        %parallel_loop3A_263 = tpu.vector_load %arg10[%parallel_loop3A_262] {strides = array<i32>} : memref<6400xi32, #tpu.memory_space<vmem>>, vector<16xi32>,
        tpu.vector_store %arg10[%parallel_loop3A_262], %parallel_loop3A_258 {strides = array<i32>} : memref<6400xi32, #tpu.memory_space<vmem>>, vector<16xi32>,
      } {sc.loop_unroll_factor = 4 : i64, sc.parallel_access}
      %scan3A_252 = arith.constant 0 : i32
      scf.yield %scan3A_252 : i32
    }
    %scan3A_10 = arith.constant 32 : i32
    %mul3A_11 = arith.constant 32 : i32
    %mul3A_12 = arith.muli %add3A, %mul3A_11 : i32
    "tpu.region"() ({
      %run_scoped3A = tpu.sem_alloc : memref<!tpu.dma_semaphore, #tpu.memory_space<semaphore_mem>>
      %dma_start3A_242 = arith.constant 0 : i32
      %dma_start3A_243 = tpu.memref_slice %arg3[%dma_start3A_242, %mul3A_12] : memref<200x1024xi32, #tpu.memory_space<hbm>> -> memref<200x32xi32, #tpu.memory_space<hbm>>
      %dma_start3A_244 = arith.constant 0 : i32
      %dma_start3A_245 = tpu.memref_slice %arg3[%dma_start3A_244, %mul3A_12] : memref<200x1024xi32, #tpu.memory_space<hbm>> -> memref<200x32xi32, #tpu.memory_space<hbm>>
      tpu.enqueue_dma source(%dma_start3A_245 : memref<200x32xi32, #tpu.memory_space<hbm>>) target(%arg9 : memref<200x32xi32, #tpu.memory_space<vmem>>) target_semaphore(%run_scoped3A : memref<!tpu.dma_semaphore, #tpu.memory_space<semaphore_mem>>)
      %dma_wait3A_246 = arith.constant 0 : i32
      %dma_wait3A_247 = tpu.memref_slice %arg3[%dma_wait3A_246, %mul3A_12] : memref<200x1024xi32, #tpu.memory_space<hbm>> -> memref<200x32xi32, #tpu.memory_space<hbm>>
      %dma_wait3A_248 = arith.constant 0 : i32
      %dma_wait3A_249 = tpu.memref_slice %arg3[%dma_wait3A_248, %mul3A_12] : memref<200x1024xi32, #tpu.memory_space<hbm>> -> memref<200x32xi32, #tpu.memory_space<hbm>>
      tpu.wait_dma2 semaphore(%run_scoped3A : memref<!tpu.dma_semaphore, #tpu.memory_space<semaphore_mem>>) src(%dma_wait3A_249 : memref<200x32xi32, #tpu.memory_space<hbm>>) dst(%arg9 : memref<200x32xi32, #tpu.memory_space<vmem>>)
      tpu.yield
    }) : () -> ()
    %scan3A_13 = arith.constant 0 : i32
    %scan3A_14 = arith.constant 0 : i32
    %scan3A_15 = arith.constant 32 : i32
    %scan3A_16 = arith.addi %scan3A_14, %scan3A_15 : i32
    %scan3A_17 = arith.constant 1 : i32
    %scan3A_18 = scf.for %scan3A_242 = %scan3A_14 to %scan3A_16 step %scan3A_17 iter_args(%scan3A_243 = %scan3A_13) -> (i32)  : i32 {
      %mul3A_244 = arith.constant 0 : i32
      %mul3A_245 = vector.broadcast %mul3A_244 : i32 to vector<16xi32>
      %mul3A_246 = arith.muli %iota3A, %mul3A_245 : vector<16xi32>
      %add3A_247 = vector.broadcast %scan3A_242 : i32 to vector<16xi32>
      %add3A_248 = arith.addi %mul3A_246, %add3A_247 : vector<16xi32>
      %parallel_loop3A_249 = arith.constant 0 : i32
      %parallel_loop3A_250 = arith.constant 200 : i32
      %parallel_loop3A_251 = arith.constant 16 : i32
      scf.for %parallel_loop3A_253 = %parallel_loop3A_249 to %parallel_loop3A_250 step %parallel_loop3A_251  : i32 {
        %parallel_loop3A_254 = arith.constant 184 : i32
        %parallel_loop3A_255 = arith.minsi %parallel_loop3A_253, %parallel_loop3A_254 : i32
        %parallel_loop3A_256 = vector.broadcast %parallel_loop3A_255 : i32 to vector<16xi32>
        %parallel_loop3A_257 = arith.addi %parallel_loop3A_256, %iota3A : vector<16xi32>
        %parallel_loop3A_258 = tpu.vector_load_idx %arg9[%parallel_loop3A_257, %add3A_248] : memref<200x32xi32, #tpu.memory_space<vmem>>[vector<16xi32>, vector<16xi32>], vector<16xi32>,
        %parallel_loop3A_259 = arith.constant 200 : i32
        %parallel_loop3A_260 = arith.muli %scan3A_242, %parallel_loop3A_259 : i32
        %parallel_loop3A_261 = arith.addi %parallel_loop3A_260, %parallel_loop3A_255 : i32
        %parallel_loop3A_262 = arith.index_cast %parallel_loop3A_261 : i32 to index
        %parallel_loop3A_263 = tpu.vector_load %arg13[%parallel_loop3A_262] {strides = array<i32>} : memref<6400xi32, #tpu.memory_space<vmem>>, vector<16xi32>,
        tpu.vector_store %arg13[%parallel_loop3A_262], %parallel_loop3A_258 {strides = array<i32>} : memref<6400xi32, #tpu.memory_space<vmem>>, vector<16xi32>,
      } {sc.loop_unroll_factor = 4 : i64, sc.parallel_access}
      %scan3A_252 = arith.constant 0 : i32
      scf.yield %scan3A_252 : i32
    }
    %scan3A_19 = arith.constant 32 : i32
    %mul3A_20 = arith.constant 32 : i32
    %mul3A_21 = arith.muli %add3A, %mul3A_20 : i32
    "tpu.region"() ({
      %run_scoped3A = tpu.sem_alloc : memref<!tpu.dma_semaphore, #tpu.memory_space<semaphore_mem>>
      %dma_start3A_242 = arith.constant 0 : i32
      %dma_start3A_243 = tpu.memref_slice %arg4[%dma_start3A_242, %mul3A_21] : memref<200x1024xi32, #tpu.memory_space<hbm>> -> memref<200x32xi32, #tpu.memory_space<hbm>>
      %dma_start3A_244 = arith.constant 0 : i32
      %dma_start3A_245 = tpu.memref_slice %arg4[%dma_start3A_244, %mul3A_21] : memref<200x1024xi32, #tpu.memory_space<hbm>> -> memref<200x32xi32, #tpu.memory_space<hbm>>
      tpu.enqueue_dma source(%dma_start3A_245 : memref<200x32xi32, #tpu.memory_space<hbm>>) target(%arg9 : memref<200x32xi32, #tpu.memory_space<vmem>>) target_semaphore(%run_scoped3A : memref<!tpu.dma_semaphore, #tpu.memory_space<semaphore_mem>>)
      %dma_wait3A_246 = arith.constant 0 : i32
      %dma_wait3A_247 = tpu.memref_slice %arg4[%dma_wait3A_246, %mul3A_21] : memref<200x1024xi32, #tpu.memory_space<hbm>> -> memref<200x32xi32, #tpu.memory_space<hbm>>
      %dma_wait3A_248 = arith.constant 0 : i32
      %dma_wait3A_249 = tpu.memref_slice %arg4[%dma_wait3A_248, %mul3A_21] : memref<200x1024xi32, #tpu.memory_space<hbm>> -> memref<200x32xi32, #tpu.memory_space<hbm>>
      tpu.wait_dma2 semaphore(%run_scoped3A : memref<!tpu.dma_semaphore, #tpu.memory_space<semaphore_mem>>) src(%dma_wait3A_249 : memref<200x32xi32, #tpu.memory_space<hbm>>) dst(%arg9 : memref<200x32xi32, #tpu.memory_space<vmem>>)
      tpu.yield
    }) : () -> ()
    %scan3A_22 = arith.constant 0 : i32
    %scan3A_23 = arith.constant 0 : i32
    %scan3A_24 = arith.constant 32 : i32
    %scan3A_25 = arith.addi %scan3A_23, %scan3A_24 : i32
    %scan3A_26 = arith.constant 1 : i32
    %scan3A_27 = scf.for %scan3A_242 = %scan3A_23 to %scan3A_25 step %scan3A_26 iter_args(%scan3A_243 = %scan3A_22) -> (i32)  : i32 {
      %mul3A_244 = arith.constant 0 : i32
      %mul3A_245 = vector.broadcast %mul3A_244 : i32 to vector<16xi32>
      %mul3A_246 = arith.muli %iota3A, %mul3A_245 : vector<16xi32>
      %add3A_247 = vector.broadcast %scan3A_242 : i32 to vector<16xi32>
      %add3A_248 = arith.addi %mul3A_246, %add3A_247 : vector<16xi32>
      %parallel_loop3A_249 = arith.constant 0 : i32
      %parallel_loop3A_250 = arith.constant 200 : i32
      %parallel_loop3A_251 = arith.constant 16 : i32
      scf.for %parallel_loop3A_253 = %parallel_loop3A_249 to %parallel_loop3A_250 step %parallel_loop3A_251  : i32 {
        %parallel_loop3A_254 = arith.constant 184 : i32
        %parallel_loop3A_255 = arith.minsi %parallel_loop3A_253, %parallel_loop3A_254 : i32
        %parallel_loop3A_256 = vector.broadcast %parallel_loop3A_255 : i32 to vector<16xi32>
        %parallel_loop3A_257 = arith.addi %parallel_loop3A_256, %iota3A : vector<16xi32>
        %parallel_loop3A_258 = tpu.vector_load_idx %arg9[%parallel_loop3A_257, %add3A_248] : memref<200x32xi32, #tpu.memory_space<vmem>>[vector<16xi32>, vector<16xi32>], vector<16xi32>,
        %parallel_loop3A_259 = arith.constant 200 : i32
        %parallel_loop3A_260 = arith.muli %scan3A_242, %parallel_loop3A_259 : i32
        %parallel_loop3A_261 = arith.addi %parallel_loop3A_260, %parallel_loop3A_255 : i32
        %parallel_loop3A_262 = arith.index_cast %parallel_loop3A_261 : i32 to index
        %parallel_loop3A_263 = tpu.vector_load %arg14[%parallel_loop3A_262] {strides = array<i32>} : memref<6400xi32, #tpu.memory_space<vmem>>, vector<16xi32>,
        tpu.vector_store %arg14[%parallel_loop3A_262], %parallel_loop3A_258 {strides = array<i32>} : memref<6400xi32, #tpu.memory_space<vmem>>, vector<16xi32>,
      } {sc.loop_unroll_factor = 4 : i64, sc.parallel_access}
      %scan3A_252 = arith.constant 0 : i32
      scf.yield %scan3A_252 : i32
    }
    %scan3A_28 = arith.constant 32 : i32
    %scan3A_29 = arith.constant 0 : i32
    %scan3A_30 = arith.constant 0 : i32
    %scan3A_31 = arith.constant 400 : i32
    %scan3A_32 = arith.addi %scan3A_30, %scan3A_31 : i32
    %scan3A_33 = arith.constant 1 : i32
    %scan3A_34 = scf.for %scan3A_242 = %scan3A_30 to %scan3A_32 step %scan3A_33 iter_args(%scan3A_243 = %scan3A_29) -> (i32)  : i32 {
      %mul3A_244 = arith.constant 16 : i32
      %mul3A_245 = arith.muli %scan3A_242, %mul3A_244 : i32
      %get3A = arith.index_cast %mul3A_245 : i32 to index
      %get3A_246 = tpu.vector_load %arg10[%get3A] {strides = array<i32>} : memref<6400xi32, #tpu.memory_space<vmem>>, vector<16xi32>,
      %ge3A = arith.constant 512000 : i32
      %ge3A_247 = vector.broadcast %ge3A : i32 to vector<16xi32>
      %ge3A_248 = arith.cmpi sge, %get3A_246, %ge3A_247 : vector<16xi32>
      %sub3A = arith.constant 512000 : i32
      %sub3A_249 = vector.broadcast %sub3A : i32 to vector<16xi32>
      %sub3A_250 = arith.subi %get3A_246, %sub3A_249 : vector<16xi32>
      %select_n3A = arith.select %ge3A_248, %sub3A_250, %get3A_246 : vector<16xi1>, vector<16xi32>
      %swap3A = arith.index_cast %mul3A_245 : i32 to index
      %swap3A_251 = tpu.vector_load %arg11[%swap3A] {strides = array<i32>} : memref<6400xi32, #tpu.memory_space<vmem>>, vector<16xi32>,
      tpu.vector_store %arg11[%swap3A], %select_n3A {strides = array<i32>} : memref<6400xi32, #tpu.memory_space<vmem>>, vector<16xi32>,
      %jit3A = arith.constant 64 : i32
      %jit3A_252 = arith.constant 0 : i32
      %broadcast_in_dim3A = vector.broadcast %jit3A : i32 to vector<16xi32>
      %broadcast_in_dim3A_253 = vector.broadcast %jit3A_252 : i32 to vector<16xi32>
      %select_n3A_254 = arith.select %ge3A_248, %broadcast_in_dim3A, %broadcast_in_dim3A_253 : vector<16xi1>, vector<16xi32>
      %swap3A_255 = arith.index_cast %mul3A_245 : i32 to index
      %swap3A_256 = tpu.vector_load %arg12[%swap3A_255] {strides = array<i32>} : memref<6400xi32, #tpu.memory_space<vmem>>, vector<16xi32>,
      tpu.vector_store %arg12[%swap3A_255], %select_n3A_254 {strides = array<i32>} : memref<6400xi32, #tpu.memory_space<vmem>>, vector<16xi32>,
      %scan3A_257 = arith.constant 0 : i32
      scf.yield %scan3A_257 : i32
    }
    %scan3A_35 = arith.constant 400 : i32
    %dma_start3A = arith.constant 0 : i32
    %dma_start3A_36 = arith.constant 0 : i32
    %dma_start3A_37 = arith.constant 0 : i32
    %dma_start3A_38 = tpu.memref_slice %arg15[%dma_start3A, %dma_start3A_36, %dma_start3A_37] : memref<2x128x128xf32, #tpu.memory_space<vmem>> -> memref<1x128x128xf32, #tpu.memory_space<vmem>>
    %dma_start3A_39 = tpu.memref_squeeze %dma_start3A_38 : memref<1x128x128xf32, #tpu.memory_space<vmem>> -> memref<128x128xf32, #tpu.memory_space<vmem>>
    %dma_start3A_40 = arith.constant 0 : i32
    %dma_start3A_41 = tpu.memref_slice %arg11[%dma_start3A_40] : memref<6400xi32, #tpu.memory_space<vmem>> -> memref<128xi32, #tpu.memory_space<vmem>>
    %dma_start3A_42 = arith.constant 0 : i32
    %dma_start3A_43 = arith.constant 0 : i32
    %dma_start3A_44 = tpu.memref_slice %arg5[%dma_start3A_42, %dma_start3A_43] : memref<512000x128xf32, #tpu.memory_space<hbm>> -> memref<512000x128xf32, #tpu.memory_space<hbm>>
    tpu.enqueue_indirect_dma source(%dma_start3A_44 : memref<512000x128xf32, #tpu.memory_space<hbm>>) target(%dma_start3A_39 : memref<128x128xf32, #tpu.memory_space<vmem>>) offsets(%dma_start3A_41 : memref<128xi32, #tpu.memory_space<vmem>>) semaphore(%arg19 : memref<!tpu.dma_semaphore, #tpu.memory_space<semaphore_mem>>)
    %dma_start3A_45 = arith.constant 0 : i32
    %dma_start3A_46 = arith.constant 0 : i32
    %dma_start3A_47 = arith.constant 0 : i32
    %dma_start3A_48 = tpu.memref_slice %arg17[%dma_start3A_45, %dma_start3A_46, %dma_start3A_47] : memref<2x128x32xf32, #tpu.memory_space<vmem>> -> memref<1x128x32xf32, #tpu.memory_space<vmem>>
    %dma_start3A_49 = tpu.memref_squeeze %dma_start3A_48 : memref<1x128x32xf32, #tpu.memory_space<vmem>> -> memref<128x32xf32, #tpu.memory_space<vmem>>
    %dma_start3A_50 = arith.constant 0 : i32
    %dma_start3A_51 = tpu.memref_slice %arg13[%dma_start3A_50] : memref<6400xi32, #tpu.memory_space<vmem>> -> memref<128xi32, #tpu.memory_space<vmem>>
    %dma_start3A_52 = arith.constant 0 : i32
    %dma_start3A_53 = arith.constant 0 : i32
    %dma_start3A_54 = tpu.memref_slice %arg6[%dma_start3A_52, %dma_start3A_53] : memref<100000x32xf32, #tpu.memory_space<hbm>> -> memref<100000x32xf32, #tpu.memory_space<hbm>>
    tpu.enqueue_indirect_dma source(%dma_start3A_54 : memref<100000x32xf32, #tpu.memory_space<hbm>>) target(%dma_start3A_49 : memref<128x32xf32, #tpu.memory_space<vmem>>) offsets(%dma_start3A_51 : memref<128xi32, #tpu.memory_space<vmem>>) semaphore(%arg19 : memref<!tpu.dma_semaphore, #tpu.memory_space<semaphore_mem>>)
    %dma_start3A_55 = arith.constant 0 : i32
    %dma_start3A_56 = arith.constant 0 : i32
    %dma_start3A_57 = arith.constant 0 : i32
    %dma_start3A_58 = tpu.memref_slice %arg18[%dma_start3A_55, %dma_start3A_56, %dma_start3A_57] : memref<2x128x32xf32, #tpu.memory_space<vmem>> -> memref<1x128x32xf32, #tpu.memory_space<vmem>>
    %dma_start3A_59 = tpu.memref_squeeze %dma_start3A_58 : memref<1x128x32xf32, #tpu.memory_space<vmem>> -> memref<128x32xf32, #tpu.memory_space<vmem>>
    %dma_start3A_60 = arith.constant 0 : i32
    %dma_start3A_61 = tpu.memref_slice %arg14[%dma_start3A_60] : memref<6400xi32, #tpu.memory_space<vmem>> -> memref<128xi32, #tpu.memory_space<vmem>>
    %dma_start3A_62 = arith.constant 0 : i32
    %dma_start3A_63 = arith.constant 0 : i32
    %dma_start3A_64 = tpu.memref_slice %arg7[%dma_start3A_62, %dma_start3A_63] : memref<100000x32xf32, #tpu.memory_space<hbm>> -> memref<100000x32xf32, #tpu.memory_space<hbm>>
    tpu.enqueue_indirect_dma source(%dma_start3A_64 : memref<100000x32xf32, #tpu.memory_space<hbm>>) target(%dma_start3A_59 : memref<128x32xf32, #tpu.memory_space<vmem>>) offsets(%dma_start3A_61 : memref<128xi32, #tpu.memory_space<vmem>>) semaphore(%arg19 : memref<!tpu.dma_semaphore, #tpu.memory_space<semaphore_mem>>)
    %dma_start3A_65 = arith.constant 1 : i32
    %dma_start3A_66 = arith.constant 0 : i32
    %dma_start3A_67 = arith.constant 0 : i32
    %dma_start3A_68 = tpu.memref_slice %arg15[%dma_start3A_65, %dma_start3A_66, %dma_start3A_67] : memref<2x128x128xf32, #tpu.memory_space<vmem>> -> memref<1x128x128xf32, #tpu.memory_space<vmem>>
    %dma_start3A_69 = tpu.memref_squeeze %dma_start3A_68 : memref<1x128x128xf32, #tpu.memory_space<vmem>> -> memref<128x128xf32, #tpu.memory_space<vmem>>
    %dma_start3A_70 = arith.constant 128 : i32
    %dma_start3A_71 = tpu.memref_slice %arg11[%dma_start3A_70] : memref<6400xi32, #tpu.memory_space<vmem>> -> memref<128xi32, #tpu.memory_space<vmem>>
    %dma_start3A_72 = arith.constant 0 : i32
    %dma_start3A_73 = arith.constant 0 : i32
    %dma_start3A_74 = tpu.memref_slice %arg5[%dma_start3A_72, %dma_start3A_73] : memref<512000x128xf32, #tpu.memory_space<hbm>> -> memref<512000x128xf32, #tpu.memory_space<hbm>>
    tpu.enqueue_indirect_dma source(%dma_start3A_74 : memref<512000x128xf32, #tpu.memory_space<hbm>>) target(%dma_start3A_69 : memref<128x128xf32, #tpu.memory_space<vmem>>) offsets(%dma_start3A_71 : memref<128xi32, #tpu.memory_space<vmem>>) semaphore(%arg20 : memref<!tpu.dma_semaphore, #tpu.memory_space<semaphore_mem>>)
    %dma_start3A_75 = arith.constant 1 : i32
    %dma_start3A_76 = arith.constant 0 : i32
    %dma_start3A_77 = arith.constant 0 : i32
    %dma_start3A_78 = tpu.memref_slice %arg17[%dma_start3A_75, %dma_start3A_76, %dma_start3A_77] : memref<2x128x32xf32, #tpu.memory_space<vmem>> -> memref<1x128x32xf32, #tpu.memory_space<vmem>>
    %dma_start3A_79 = tpu.memref_squeeze %dma_start3A_78 : memref<1x128x32xf32, #tpu.memory_space<vmem>> -> memref<128x32xf32, #tpu.memory_space<vmem>>
    %dma_start3A_80 = arith.constant 128 : i32
    %dma_start3A_81 = tpu.memref_slice %arg13[%dma_start3A_80] : memref<6400xi32, #tpu.memory_space<vmem>> -> memref<128xi32, #tpu.memory_space<vmem>>
    %dma_start3A_82 = arith.constant 0 : i32
    %dma_start3A_83 = arith.constant 0 : i32
    %dma_start3A_84 = tpu.memref_slice %arg6[%dma_start3A_82, %dma_start3A_83] : memref<100000x32xf32, #tpu.memory_space<hbm>> -> memref<100000x32xf32, #tpu.memory_space<hbm>>
    tpu.enqueue_indirect_dma source(%dma_start3A_84 : memref<100000x32xf32, #tpu.memory_space<hbm>>) target(%dma_start3A_79 : memref<128x32xf32, #tpu.memory_space<vmem>>) offsets(%dma_start3A_81 : memref<128xi32, #tpu.memory_space<vmem>>) semaphore(%arg20 : memref<!tpu.dma_semaphore, #tpu.memory_space<semaphore_mem>>)
    %dma_start3A_85 = arith.constant 1 : i32
    %dma_start3A_86 = arith.constant 0 : i32
    %dma_start3A_87 = arith.constant 0 : i32
    %dma_start3A_88 = tpu.memref_slice %arg18[%dma_start3A_85, %dma_start3A_86, %dma_start3A_87] : memref<2x128x32xf32, #tpu.memory_space<vmem>> -> memref<1x128x32xf32, #tpu.memory_space<vmem>>
    %dma_start3A_89 = tpu.memref_squeeze %dma_start3A_88 : memref<1x128x32xf32, #tpu.memory_space<vmem>> -> memref<128x32xf32, #tpu.memory_space<vmem>>
    %dma_start3A_90 = arith.constant 128 : i32
    %dma_start3A_91 = tpu.memref_slice %arg14[%dma_start3A_90] : memref<6400xi32, #tpu.memory_space<vmem>> -> memref<128xi32, #tpu.memory_space<vmem>>
    %dma_start3A_92 = arith.constant 0 : i32
    %dma_start3A_93 = arith.constant 0 : i32
    %dma_start3A_94 = tpu.memref_slice %arg7[%dma_start3A_92, %dma_start3A_93] : memref<100000x32xf32, #tpu.memory_space<hbm>> -> memref<100000x32xf32, #tpu.memory_space<hbm>>
    tpu.enqueue_indirect_dma source(%dma_start3A_94 : memref<100000x32xf32, #tpu.memory_space<hbm>>) target(%dma_start3A_89 : memref<128x32xf32, #tpu.memory_space<vmem>>) offsets(%dma_start3A_91 : memref<128xi32, #tpu.memory_space<vmem>>) semaphore(%arg20 : memref<!tpu.dma_semaphore, #tpu.memory_space<semaphore_mem>>)
    %scan3A_95 = arith.constant 0 : i32
    %scan3A_96 = arith.constant 0 : i32
    %scan3A_97 = arith.constant 24 : i32
    %scan3A_98 = arith.addi %scan3A_96, %scan3A_97 : i32
    %scan3A_99 = arith.constant 1 : i32
    %scan3A_100 = scf.for %scan3A_242 = %scan3A_96 to %scan3A_98 step %scan3A_99 iter_args(%scan3A_243 = %scan3A_95) -> (i32)  : i32 {
      %mul3A_244 = arith.constant 2 : i32
      %mul3A_245 = arith.muli %mul3A_244, %scan3A_242 : i32
      %mul3A_246 = arith.constant 128 : i32
      %mul3A_247 = arith.muli %mul3A_245, %mul3A_246 : i32
      %dma_wait3A_248 = arith.constant 0 : i32
      %dma_wait3A_249 = arith.constant 0 : i32
      %dma_wait3A_250 = arith.constant 0 : i32
      %dma_wait3A_251 = tpu.memref_slice %arg15[%dma_wait3A_248, %dma_wait3A_249, %dma_wait3A_250] : memref<2x128x128xf32, #tpu.memory_space<vmem>> -> memref<1x128x128xf32, #tpu.memory_space<vmem>>
      %dma_wait3A_252 = tpu.memref_squeeze %dma_wait3A_251 : memref<1x128x128xf32, #tpu.memory_space<vmem>> -> memref<128x128xf32, #tpu.memory_space<vmem>>
      %dma_wait3A_253 = tpu.memref_slice %arg11[%mul3A_247] : memref<6400xi32, #tpu.memory_space<vmem>> -> memref<128xi32, #tpu.memory_space<vmem>>
      %dma_wait3A_254 = arith.constant 0 : i32
      %dma_wait3A_255 = arith.constant 0 : i32
      %dma_wait3A_256 = tpu.memref_slice %arg5[%dma_wait3A_254, %dma_wait3A_255] : memref<512000x128xf32, #tpu.memory_space<hbm>> -> memref<512000x128xf32, #tpu.memory_space<hbm>>
      tpu.wait_indirect_dma semaphore(%arg19 : memref<!tpu.dma_semaphore, #tpu.memory_space<semaphore_mem>>) src(%dma_wait3A_256 : memref<512000x128xf32, #tpu.memory_space<hbm>>) dst(%dma_wait3A_252 : memref<128x128xf32, #tpu.memory_space<vmem>>)
      %mul3A_257 = arith.constant 128 : i32
      %mul3A_258 = arith.muli %mul3A_245, %mul3A_257 : i32
      %dma_wait3A_259 = arith.constant 0 : i32
      %dma_wait3A_260 = arith.constant 0 : i32
      %dma_wait3A_261 = arith.constant 0 : i32
      %dma_wait3A_262 = tpu.memref_slice %arg17[%dma_wait3A_259, %dma_wait3A_260, %dma_wait3A_261] : memref<2x128x32xf32, #tpu.memory_space<vmem>> -> memref<1x128x32xf32, #tpu.memory_space<vmem>>
      %dma_wait3A_263 = tpu.memref_squeeze %dma_wait3A_262 : memref<1x128x32xf32, #tpu.memory_space<vmem>> -> memref<128x32xf32, #tpu.memory_space<vmem>>
      %dma_wait3A_264 = tpu.memref_slice %arg13[%mul3A_258] : memref<6400xi32, #tpu.memory_space<vmem>> -> memref<128xi32, #tpu.memory_space<vmem>>
      %dma_wait3A_265 = arith.constant 0 : i32
      %dma_wait3A_266 = arith.constant 0 : i32
      %dma_wait3A_267 = tpu.memref_slice %arg6[%dma_wait3A_265, %dma_wait3A_266] : memref<100000x32xf32, #tpu.memory_space<hbm>> -> memref<100000x32xf32, #tpu.memory_space<hbm>>
      tpu.wait_indirect_dma semaphore(%arg19 : memref<!tpu.dma_semaphore, #tpu.memory_space<semaphore_mem>>) src(%dma_wait3A_267 : memref<100000x32xf32, #tpu.memory_space<hbm>>) dst(%dma_wait3A_263 : memref<128x32xf32, #tpu.memory_space<vmem>>)
      %mul3A_268 = arith.constant 128 : i32
      %mul3A_269 = arith.muli %mul3A_245, %mul3A_268 : i32
      %dma_wait3A_270 = arith.constant 0 : i32
      %dma_wait3A_271 = arith.constant 0 : i32
      %dma_wait3A_272 = arith.constant 0 : i32
      %dma_wait3A_273 = tpu.memref_slice %arg18[%dma_wait3A_270, %dma_wait3A_271, %dma_wait3A_272] : memref<2x128x32xf32, #tpu.memory_space<vmem>> -> memref<1x128x32xf32, #tpu.memory_space<vmem>>
      %dma_wait3A_274 = tpu.memref_squeeze %dma_wait3A_273 : memref<1x128x32xf32, #tpu.memory_space<vmem>> -> memref<128x32xf32, #tpu.memory_space<vmem>>
      %dma_wait3A_275 = tpu.memref_slice %arg14[%mul3A_269] : memref<6400xi32, #tpu.memory_space<vmem>> -> memref<128xi32, #tpu.memory_space<vmem>>
      %dma_wait3A_276 = arith.constant 0 : i32
      %dma_wait3A_277 = arith.constant 0 : i32
      %dma_wait3A_278 = tpu.memref_slice %arg7[%dma_wait3A_276, %dma_wait3A_277] : memref<100000x32xf32, #tpu.memory_space<hbm>> -> memref<100000x32xf32, #tpu.memory_space<hbm>>
      tpu.wait_indirect_dma semaphore(%arg19 : memref<!tpu.dma_semaphore, #tpu.memory_space<semaphore_mem>>) src(%dma_wait3A_278 : memref<100000x32xf32, #tpu.memory_space<hbm>>) dst(%dma_wait3A_274 : memref<128x32xf32, #tpu.memory_space<vmem>>)
      %iota3A_279 = tpu.iota {dimensions = array<i32: 0>} : vector<16xi32>
      %scan3A_280 = arith.constant 0 : i32
      %scan3A_281 = arith.constant 0 : i32
      %scan3A_282 = arith.constant 0 : i32
      %scan3A_283 = arith.constant 0 : i32
      %scan3A_284 = arith.constant 8 : i32
      %scan3A_285 = arith.addi %scan3A_283, %scan3A_284 : i32
      %scan3A_286 = arith.constant 1 : i32
      %scan3A_287 = scf.for %scan3A_473 = %scan3A_283 to %scan3A_285 step %scan3A_286 iter_args(%scan3A_474 = %scan3A_282) -> (i32)  : i32 {
        %mul3A_475 = arith.constant 128 : i32
        %mul3A_476 = arith.muli %mul3A_245, %mul3A_475 : i32
        %mul3A_477 = arith.constant 16 : i32
        %mul3A_478 = arith.muli %scan3A_473, %mul3A_477 : i32
        %add3A_479 = arith.addi %mul3A_476, %mul3A_478 : i32
        %get3A = arith.index_cast %add3A_479 : i32 to index
        %get3A_480 = tpu.vector_load %arg12[%get3A] {strides = array<i32>} : memref<6400xi32, #tpu.memory_space<vmem>>, vector<16xi32>,
        %mul3A_481 = arith.constant 16 : i32
        %mul3A_482 = arith.muli %scan3A_473, %mul3A_481 : i32
        %add3A_483 = vector.broadcast %mul3A_482 : i32 to vector<16xi32>
        %add3A_484 = arith.addi %add3A_483, %iota3A_279 : vector<16xi32>
        %mul3A_485 = arith.constant 0 : i32
        %mul3A_486 = vector.broadcast %mul3A_485 : i32 to vector<16xi32>
        %mul3A_487 = arith.muli %get3A_480, %mul3A_486 : vector<16xi32>
        %parallel_loop3A_488 = arith.constant 0 : i32
        %parallel_loop3A_489 = arith.constant 64 : i32
        %parallel_loop3A_490 = arith.constant 1 : i32
        scf.for %parallel_loop3A_492 = %parallel_loop3A_488 to %parallel_loop3A_489 step %parallel_loop3A_490  : i32 {
          %parallel_loop3A_493 = vector.broadcast %parallel_loop3A_492 : i32 to vector<16xi32>
          %parallel_loop3A_494 = arith.addi %get3A_480, %parallel_loop3A_493 : vector<16xi32>
          %parallel_loop3A_495 = arith.constant 0 : i32
          %parallel_loop3A_496 = arith.constant 0 : i32
          %parallel_loop3A_497 = tpu.memref_slice %arg15[%scan3A_280, %parallel_loop3A_495, %parallel_loop3A_496] : memref<2x128x128xf32, #tpu.memory_space<vmem>> -> memref<1x128x128xf32, #tpu.memory_space<vmem>>
          %parallel_loop3A_498 = tpu.memref_squeeze %parallel_loop3A_497 : memref<1x128x128xf32, #tpu.memory_space<vmem>> -> memref<128x128xf32, #tpu.memory_space<vmem>>
          %parallel_loop3A_499 = tpu.vector_load_idx %parallel_loop3A_498[%add3A_484, %parallel_loop3A_494] : memref<128x128xf32, #tpu.memory_space<vmem>>[vector<16xi32>, vector<16xi32>], vector<16xf32>,
          %parallel_loop3A_500 = vector.broadcast %parallel_loop3A_492 : i32 to vector<16xi32>
          %parallel_loop3A_501 = arith.addi %mul3A_487, %parallel_loop3A_500 : vector<16xi32>
          %parallel_loop3A_502 = arith.constant 0 : i32
          %parallel_loop3A_503 = arith.constant 0 : i32
          %parallel_loop3A_504 = tpu.memref_slice %arg16[%scan3A_281, %parallel_loop3A_502, %parallel_loop3A_503] : memref<2x128x128xf32, #tpu.memory_space<vmem>> -> memref<1x128x128xf32, #tpu.memory_space<vmem>>
          %parallel_loop3A_505 = tpu.memref_squeeze %parallel_loop3A_504 : memref<1x128x128xf32, #tpu.memory_space<vmem>> -> memref<128x128xf32, #tpu.memory_space<vmem>>
          tpu.vector_store_idx %parallel_loop3A_505[%add3A_484, %parallel_loop3A_501], %parallel_loop3A_499 : memref<128x128xf32, #tpu.memory_space<vmem>>[vector<16xi32>, vector<16xi32>], vector<16xf32>,
        } {sc.loop_unroll_factor = 8 : i64, sc.parallel_access}
        %scan3A_491 = arith.constant 0 : i32
        scf.yield %scan3A_491 : i32
      }
      %scan3A_288 = arith.constant 8 : i32
      %parallel_loop3A_289 = arith.constant 0 : i32
      %parallel_loop3A_290 = arith.constant 128 : i32
      %parallel_loop3A_291 = arith.constant 1 : i32
      scf.for %parallel_loop3A_473 = %parallel_loop3A_289 to %parallel_loop3A_290 step %parallel_loop3A_291  : i32 {
        %parallel_loop3A_474 = arith.constant 0 : i32
        %parallel_loop3A_475 = arith.index_cast %parallel_loop3A_474 : i32 to index
        %parallel_loop3A_476 = arith.index_cast %parallel_loop3A_473 : i32 to index
        %parallel_loop3A_477 = arith.constant 0 : index
        %parallel_loop3A_478 = tpu.vector_load %arg17[%parallel_loop3A_475, %parallel_loop3A_476, %parallel_loop3A_477] {strides = array<i32>} : memref<2x128x32xf32, #tpu.memory_space<vmem>>, vector<16xf32>,
        %parallel_loop3A_479 = arith.constant 0 : i32
        %parallel_loop3A_480 = arith.index_cast %parallel_loop3A_479 : i32 to index
        %parallel_loop3A_481 = arith.index_cast %parallel_loop3A_473 : i32 to index
        %parallel_loop3A_482 = arith.constant 64 : index
        %parallel_loop3A_483 = tpu.vector_load %arg16[%parallel_loop3A_480, %parallel_loop3A_481, %parallel_loop3A_482] {strides = array<i32>} : memref<2x128x128xf32, #tpu.memory_space<vmem>>, vector<16xf32>,
        tpu.vector_store %arg16[%parallel_loop3A_480, %parallel_loop3A_481, %parallel_loop3A_482], %parallel_loop3A_478 {strides = array<i32>} : memref<2x128x128xf32, #tpu.memory_space<vmem>>, vector<16xf32>,
        %parallel_loop3A_484 = arith.constant 0 : i32
        %parallel_loop3A_485 = arith.index_cast %parallel_loop3A_484 : i32 to index
        %parallel_loop3A_486 = arith.index_cast %parallel_loop3A_473 : i32 to index
        %parallel_loop3A_487 = arith.constant 0 : index
        %parallel_loop3A_488 = tpu.vector_load %arg18[%parallel_loop3A_485, %parallel_loop3A_486, %parallel_loop3A_487] {strides = array<i32>} : memref<2x128x32xf32, #tpu.memory_space<vmem>>, vector<16xf32>,
        %parallel_loop3A_489 = arith.constant 0 : i32
        %parallel_loop3A_490 = arith.index_cast %parallel_loop3A_489 : i32 to index
        %parallel_loop3A_491 = arith.index_cast %parallel_loop3A_473 : i32 to index
        %parallel_loop3A_492 = arith.constant 96 : index
        %parallel_loop3A_493 = tpu.vector_load %arg16[%parallel_loop3A_490, %parallel_loop3A_491, %parallel_loop3A_492] {strides = array<i32>} : memref<2x128x128xf32, #tpu.memory_space<vmem>>, vector<16xf32>,
        tpu.vector_store %arg16[%parallel_loop3A_490, %parallel_loop3A_491, %parallel_loop3A_492], %parallel_loop3A_488 {strides = array<i32>} : memref<2x128x128xf32, #tpu.memory_space<vmem>>, vector<16xf32>,
        %parallel_loop3A_494 = arith.constant 0 : i32
        %parallel_loop3A_495 = arith.index_cast %parallel_loop3A_494 : i32 to index
        %parallel_loop3A_496 = arith.index_cast %parallel_loop3A_473 : i32 to index
        %parallel_loop3A_497 = arith.constant 16 : index
        %parallel_loop3A_498 = tpu.vector_load %arg17[%parallel_loop3A_495, %parallel_loop3A_496, %parallel_loop3A_497] {strides = array<i32>} : memref<2x128x32xf32, #tpu.memory_space<vmem>>, vector<16xf32>,
        %parallel_loop3A_499 = arith.constant 0 : i32
        %parallel_loop3A_500 = arith.index_cast %parallel_loop3A_499 : i32 to index
        %parallel_loop3A_501 = arith.index_cast %parallel_loop3A_473 : i32 to index
        %parallel_loop3A_502 = arith.constant 80 : index
        %parallel_loop3A_503 = tpu.vector_load %arg16[%parallel_loop3A_500, %parallel_loop3A_501, %parallel_loop3A_502] {strides = array<i32>} : memref<2x128x128xf32, #tpu.memory_space<vmem>>, vector<16xf32>,
        tpu.vector_store %arg16[%parallel_loop3A_500, %parallel_loop3A_501, %parallel_loop3A_502], %parallel_loop3A_498 {strides = array<i32>} : memref<2x128x128xf32, #tpu.memory_space<vmem>>, vector<16xf32>,
        %parallel_loop3A_504 = arith.constant 0 : i32
        %parallel_loop3A_505 = arith.index_cast %parallel_loop3A_504 : i32 to index
        %parallel_loop3A_506 = arith.index_cast %parallel_loop3A_473 : i32 to index
        %parallel_loop3A_507 = arith.constant 16 : index
        %parallel_loop3A_508 = tpu.vector_load %arg18[%parallel_loop3A_505, %parallel_loop3A_506, %parallel_loop3A_507] {strides = array<i32>} : memref<2x128x32xf32, #tpu.memory_space<vmem>>, vector<16xf32>,
        %parallel_loop3A_509 = arith.constant 0 : i32
        %parallel_loop3A_510 = arith.index_cast %parallel_loop3A_509 : i32 to index
        %parallel_loop3A_511 = arith.index_cast %parallel_loop3A_473 : i32 to index
        %parallel_loop3A_512 = arith.constant 112 : index
        %parallel_loop3A_513 = tpu.vector_load %arg16[%parallel_loop3A_510, %parallel_loop3A_511, %parallel_loop3A_512] {strides = array<i32>} : memref<2x128x128xf32, #tpu.memory_space<vmem>>, vector<16xf32>,
        tpu.vector_store %arg16[%parallel_loop3A_510, %parallel_loop3A_511, %parallel_loop3A_512], %parallel_loop3A_508 {strides = array<i32>} : memref<2x128x128xf32, #tpu.memory_space<vmem>>, vector<16xf32>,
      } {sc.loop_unroll_factor = 8 : i64, sc.parallel_access}
      %mul3A_292 = arith.constant 128 : i32
      %mul3A_293 = arith.muli %mul3A_245, %mul3A_292 : i32
      %add3A_294 = arith.addi %mul3A_2, %mul3A_293 : i32
      %dma_start3A_295 = arith.constant 0 : i32
      %dma_start3A_296 = arith.constant 0 : i32
      %dma_start3A_297 = arith.constant 0 : i32
      %dma_start3A_298 = tpu.memref_slice %arg16[%dma_start3A_295, %dma_start3A_296, %dma_start3A_297] : memref<2x128x128xf32, #tpu.memory_space<vmem>> -> memref<1x128x128xf32, #tpu.memory_space<vmem>>
      %dma_start3A_299 = tpu.memref_squeeze %dma_start3A_298 : memref<1x128x128xf32, #tpu.memory_space<vmem>> -> memref<128x128xf32, #tpu.memory_space<vmem>>
      %dma_start3A_300 = arith.constant 0 : i32
      %dma_start3A_301 = tpu.memref_slice %arg8[%add3A_294, %dma_start3A_300] : memref<204800x128xf32, #tpu.memory_space<hbm>> -> memref<128x128xf32, #tpu.memory_space<hbm>>
      %dma_start3A_302 = arith.constant 0 : i32
      %dma_start3A_303 = tpu.memref_slice %arg8[%add3A_294, %dma_start3A_302] : memref<204800x128xf32, #tpu.memory_space<hbm>> -> memref<128x128xf32, #tpu.memory_space<hbm>>
      %dma_start3A_304 = arith.constant 0 : i32
      %dma_start3A_305 = arith.constant 0 : i32
      %dma_start3A_306 = tpu.memref_slice %arg16[%dma_start3A_295, %dma_start3A_304, %dma_start3A_305] : memref<2x128x128xf32, #tpu.memory_space<vmem>> -> memref<1x128x128xf32, #tpu.memory_space<vmem>>
      %dma_start3A_307 = tpu.memref_squeeze %dma_start3A_306 : memref<1x128x128xf32, #tpu.memory_space<vmem>> -> memref<128x128xf32, #tpu.memory_space<vmem>>
      tpu.enqueue_dma source(%dma_start3A_307 : memref<128x128xf32, #tpu.memory_space<vmem>>) target(%dma_start3A_303 : memref<128x128xf32, #tpu.memory_space<hbm>>) target_semaphore(%arg21 : memref<!tpu.dma_semaphore, #tpu.memory_space<semaphore_mem>>)
      %add3A_308 = arith.constant 1 : i32
      %add3A_309 = arith.addi %mul3A_245, %add3A_308 : i32
      %mul3A_310 = arith.constant 128 : i32
      %mul3A_311 = arith.muli %add3A_309, %mul3A_310 : i32
      %dma_wait3A_312 = arith.constant 1 : i32
      %dma_wait3A_313 = arith.constant 0 : i32
      %dma_wait3A_314 = arith.constant 0 : i32
      %dma_wait3A_315 = tpu.memref_slice %arg15[%dma_wait3A_312, %dma_wait3A_313, %dma_wait3A_314] : memref<2x128x128xf32, #tpu.memory_space<vmem>> -> memref<1x128x128xf32, #tpu.memory_space<vmem>>
      %dma_wait3A_316 = tpu.memref_squeeze %dma_wait3A_315 : memref<1x128x128xf32, #tpu.memory_space<vmem>> -> memref<128x128xf32, #tpu.memory_space<vmem>>
      %dma_wait3A_317 = tpu.memref_slice %arg11[%mul3A_311] : memref<6400xi32, #tpu.memory_space<vmem>> -> memref<128xi32, #tpu.memory_space<vmem>>
      %dma_wait3A_318 = arith.constant 0 : i32
      %dma_wait3A_319 = arith.constant 0 : i32
      %dma_wait3A_320 = tpu.memref_slice %arg5[%dma_wait3A_318, %dma_wait3A_319] : memref<512000x128xf32, #tpu.memory_space<hbm>> -> memref<512000x128xf32, #tpu.memory_space<hbm>>
      tpu.wait_indirect_dma semaphore(%arg20 : memref<!tpu.dma_semaphore, #tpu.memory_space<semaphore_mem>>) src(%dma_wait3A_320 : memref<512000x128xf32, #tpu.memory_space<hbm>>) dst(%dma_wait3A_316 : memref<128x128xf32, #tpu.memory_space<vmem>>)
      %mul3A_321 = arith.constant 128 : i32
      %mul3A_322 = arith.muli %add3A_309, %mul3A_321 : i32
      %dma_wait3A_323 = arith.constant 1 : i32
      %dma_wait3A_324 = arith.constant 0 : i32
      %dma_wait3A_325 = arith.constant 0 : i32
      %dma_wait3A_326 = tpu.memref_slice %arg17[%dma_wait3A_323, %dma_wait3A_324, %dma_wait3A_325] : memref<2x128x32xf32, #tpu.memory_space<vmem>> -> memref<1x128x32xf32, #tpu.memory_space<vmem>>
      %dma_wait3A_327 = tpu.memref_squeeze %dma_wait3A_326 : memref<1x128x32xf32, #tpu.memory_space<vmem>> -> memref<128x32xf32, #tpu.memory_space<vmem>>
      %dma_wait3A_328 = tpu.memref_slice %arg13[%mul3A_322] : memref<6400xi32, #tpu.memory_space<vmem>> -> memref<128xi32, #tpu.memory_space<vmem>>
      %dma_wait3A_329 = arith.constant 0 : i32
      %dma_wait3A_330 = arith.constant 0 : i32
      %dma_wait3A_331 = tpu.memref_slice %arg6[%dma_wait3A_329, %dma_wait3A_330] : memref<100000x32xf32, #tpu.memory_space<hbm>> -> memref<100000x32xf32, #tpu.memory_space<hbm>>
      tpu.wait_indirect_dma semaphore(%arg20 : memref<!tpu.dma_semaphore, #tpu.memory_space<semaphore_mem>>) src(%dma_wait3A_331 : memref<100000x32xf32, #tpu.memory_space<hbm>>) dst(%dma_wait3A_327 : memref<128x32xf32, #tpu.memory_space<vmem>>)
      %mul3A_332 = arith.constant 128 : i32
      %mul3A_333 = arith.muli %add3A_309, %mul3A_332 : i32
      %dma_wait3A_334 = arith.constant 1 : i32
      %dma_wait3A_335 = arith.constant 0 : i32
      %dma_wait3A_336 = arith.constant 0 : i32
      %dma_wait3A_337 = tpu.memref_slice %arg18[%dma_wait3A_334, %dma_wait3A_335, %dma_wait3A_336] : memref<2x128x32xf32, #tpu.memory_space<vmem>> -> memref<1x128x32xf32, #tpu.memory_space<vmem>>
      %dma_wait3A_338 = tpu.memref_squeeze %dma_wait3A_337 : memref<1x128x32xf32, #tpu.memory_space<vmem>> -> memref<128x32xf32, #tpu.memory_space<vmem>>
      %dma_wait3A_339 = tpu.memref_slice %arg14[%mul3A_333] : memref<6400xi32, #tpu.memory_space<vmem>> -> memref<128xi32, #tpu.memory_space<vmem>>
      %dma_wait3A_340 = arith.constant 0 : i32
      %dma_wait3A_341 = arith.constant 0 : i32
      %dma_wait3A_342 = tpu.memref_slice %arg7[%dma_wait3A_340, %dma_wait3A_341] : memref<100000x32xf32, #tpu.memory_space<hbm>> -> memref<100000x32xf32, #tpu.memory_space<hbm>>
      tpu.wait_indirect_dma semaphore(%arg20 : memref<!tpu.dma_semaphore, #tpu.memory_space<semaphore_mem>>) src(%dma_wait3A_342 : memref<100000x32xf32, #tpu.memory_space<hbm>>) dst(%dma_wait3A_338 : memref<128x32xf32, #tpu.memory_space<vmem>>)
      %add3A_343 = arith.constant 1 : i32
      %add3A_344 = arith.addi %mul3A_245, %add3A_343 : i32
      %iota3A_345 = tpu.iota {dimensions = array<i32: 0>} : vector<16xi32>
      %scan3A_346 = arith.constant 1 : i32
      %scan3A_347 = arith.constant 1 : i32
      %scan3A_348 = arith.constant 0 : i32
      %scan3A_349 = arith.constant 0 : i32
      %scan3A_350 = arith.constant 8 : i32
      %scan3A_351 = arith.addi %scan3A_349, %scan3A_350 : i32
      %scan3A_352 = arith.constant 1 : i32
      %scan3A_353 = scf.for %scan3A_473 = %scan3A_349 to %scan3A_351 step %scan3A_352 iter_args(%scan3A_474 = %scan3A_348) -> (i32)  : i32 {
        %mul3A_475 = arith.constant 128 : i32
        %mul3A_476 = arith.muli %add3A_344, %mul3A_475 : i32
        %mul3A_477 = arith.constant 16 : i32
        %mul3A_478 = arith.muli %scan3A_473, %mul3A_477 : i32
        %add3A_479 = arith.addi %mul3A_476, %mul3A_478 : i32
        %get3A = arith.index_cast %add3A_479 : i32 to index
        %get3A_480 = tpu.vector_load %arg12[%get3A] {strides = array<i32>} : memref<6400xi32, #tpu.memory_space<vmem>>, vector<16xi32>,
        %mul3A_481 = arith.constant 16 : i32
        %mul3A_482 = arith.muli %scan3A_473, %mul3A_481 : i32
        %add3A_483 = vector.broadcast %mul3A_482 : i32 to vector<16xi32>
        %add3A_484 = arith.addi %add3A_483, %iota3A_345 : vector<16xi32>
        %mul3A_485 = arith.constant 0 : i32
        %mul3A_486 = vector.broadcast %mul3A_485 : i32 to vector<16xi32>
        %mul3A_487 = arith.muli %get3A_480, %mul3A_486 : vector<16xi32>
        %parallel_loop3A_488 = arith.constant 0 : i32
        %parallel_loop3A_489 = arith.constant 64 : i32
        %parallel_loop3A_490 = arith.constant 1 : i32
        scf.for %parallel_loop3A_492 = %parallel_loop3A_488 to %parallel_loop3A_489 step %parallel_loop3A_490  : i32 {
          %parallel_loop3A_493 = vector.broadcast %parallel_loop3A_492 : i32 to vector<16xi32>
          %parallel_loop3A_494 = arith.addi %get3A_480, %parallel_loop3A_493 : vector<16xi32>
          %parallel_loop3A_495 = arith.constant 0 : i32
          %parallel_loop3A_496 = arith.constant 0 : i32
          %parallel_loop3A_497 = tpu.memref_slice %arg15[%scan3A_346, %parallel_loop3A_495, %parallel_loop3A_496] : memref<2x128x128xf32, #tpu.memory_space<vmem>> -> memref<1x128x128xf32, #tpu.memory_space<vmem>>
          %parallel_loop3A_498 = tpu.memref_squeeze %parallel_loop3A_497 : memref<1x128x128xf32, #tpu.memory_space<vmem>> -> memref<128x128xf32, #tpu.memory_space<vmem>>
          %parallel_loop3A_499 = tpu.vector_load_idx %parallel_loop3A_498[%add3A_484, %parallel_loop3A_494] : memref<128x128xf32, #tpu.memory_space<vmem>>[vector<16xi32>, vector<16xi32>], vector<16xf32>,
          %parallel_loop3A_500 = vector.broadcast %parallel_loop3A_492 : i32 to vector<16xi32>
          %parallel_loop3A_501 = arith.addi %mul3A_487, %parallel_loop3A_500 : vector<16xi32>
          %parallel_loop3A_502 = arith.constant 0 : i32
          %parallel_loop3A_503 = arith.constant 0 : i32
          %parallel_loop3A_504 = tpu.memref_slice %arg16[%scan3A_347, %parallel_loop3A_502, %parallel_loop3A_503] : memref<2x128x128xf32, #tpu.memory_space<vmem>> -> memref<1x128x128xf32, #tpu.memory_space<vmem>>
          %parallel_loop3A_505 = tpu.memref_squeeze %parallel_loop3A_504 : memref<1x128x128xf32, #tpu.memory_space<vmem>> -> memref<128x128xf32, #tpu.memory_space<vmem>>
          tpu.vector_store_idx %parallel_loop3A_505[%add3A_484, %parallel_loop3A_501], %parallel_loop3A_499 : memref<128x128xf32, #tpu.memory_space<vmem>>[vector<16xi32>, vector<16xi32>], vector<16xf32>,
        } {sc.loop_unroll_factor = 8 : i64, sc.parallel_access}
        %scan3A_491 = arith.constant 0 : i32
        scf.yield %scan3A_491 : i32
      }
      %scan3A_354 = arith.constant 8 : i32
      %parallel_loop3A_355 = arith.constant 0 : i32
      %parallel_loop3A_356 = arith.constant 128 : i32
      %parallel_loop3A_357 = arith.constant 1 : i32
      scf.for %parallel_loop3A_473 = %parallel_loop3A_355 to %parallel_loop3A_356 step %parallel_loop3A_357  : i32 {
        %parallel_loop3A_474 = arith.constant 1 : i32
        %parallel_loop3A_475 = arith.index_cast %parallel_loop3A_474 : i32 to index
        %parallel_loop3A_476 = arith.index_cast %parallel_loop3A_473 : i32 to index
        %parallel_loop3A_477 = arith.constant 0 : index
        %parallel_loop3A_478 = tpu.vector_load %arg17[%parallel_loop3A_475, %parallel_loop3A_476, %parallel_loop3A_477] {strides = array<i32>} : memref<2x128x32xf32, #tpu.memory_space<vmem>>, vector<16xf32>,
        %parallel_loop3A_479 = arith.constant 1 : i32
        %parallel_loop3A_480 = arith.index_cast %parallel_loop3A_479 : i32 to index
        %parallel_loop3A_481 = arith.index_cast %parallel_loop3A_473 : i32 to index
        %parallel_loop3A_482 = arith.constant 64 : index
        %parallel_loop3A_483 = tpu.vector_load %arg16[%parallel_loop3A_480, %parallel_loop3A_481, %parallel_loop3A_482] {strides = array<i32>} : memref<2x128x128xf32, #tpu.memory_space<vmem>>, vector<16xf32>,
        tpu.vector_store %arg16[%parallel_loop3A_480, %parallel_loop3A_481, %parallel_loop3A_482], %parallel_loop3A_478 {strides = array<i32>} : memref<2x128x128xf32, #tpu.memory_space<vmem>>, vector<16xf32>,
        %parallel_loop3A_484 = arith.constant 1 : i32
        %parallel_loop3A_485 = arith.index_cast %parallel_loop3A_484 : i32 to index
        %parallel_loop3A_486 = arith.index_cast %parallel_loop3A_473 : i32 to index
        %parallel_loop3A_487 = arith.constant 0 : index
        %parallel_loop3A_488 = tpu.vector_load %arg18[%parallel_loop3A_485, %parallel_loop3A_486, %parallel_loop3A_487] {strides = array<i32>} : memref<2x128x32xf32, #tpu.memory_space<vmem>>, vector<16xf32>,
        %parallel_loop3A_489 = arith.constant 1 : i32
        %parallel_loop3A_490 = arith.index_cast %parallel_loop3A_489 : i32 to index
        %parallel_loop3A_491 = arith.index_cast %parallel_loop3A_473 : i32 to index
        %parallel_loop3A_492 = arith.constant 96 : index
        %parallel_loop3A_493 = tpu.vector_load %arg16[%parallel_loop3A_490, %parallel_loop3A_491, %parallel_loop3A_492] {strides = array<i32>} : memref<2x128x128xf32, #tpu.memory_space<vmem>>, vector<16xf32>,
        tpu.vector_store %arg16[%parallel_loop3A_490, %parallel_loop3A_491, %parallel_loop3A_492], %parallel_loop3A_488 {strides = array<i32>} : memref<2x128x128xf32, #tpu.memory_space<vmem>>, vector<16xf32>,
        %parallel_loop3A_494 = arith.constant 1 : i32
        %parallel_loop3A_495 = arith.index_cast %parallel_loop3A_494 : i32 to index
        %parallel_loop3A_496 = arith.index_cast %parallel_loop3A_473 : i32 to index
        %parallel_loop3A_497 = arith.constant 16 : index
        %parallel_loop3A_498 = tpu.vector_load %arg17[%parallel_loop3A_495, %parallel_loop3A_496, %parallel_loop3A_497] {strides = array<i32>} : memref<2x128x32xf32, #tpu.memory_space<vmem>>, vector<16xf32>,
        %parallel_loop3A_499 = arith.constant 1 : i32
        %parallel_loop3A_500 = arith.index_cast %parallel_loop3A_499 : i32 to index
        %parallel_loop3A_501 = arith.index_cast %parallel_loop3A_473 : i32 to index
        %parallel_loop3A_502 = arith.constant 80 : index
        %parallel_loop3A_503 = tpu.vector_load %arg16[%parallel_loop3A_500, %parallel_loop3A_501, %parallel_loop3A_502] {strides = array<i32>} : memref<2x128x128xf32, #tpu.memory_space<vmem>>, vector<16xf32>,
        tpu.vector_store %arg16[%parallel_loop3A_500, %parallel_loop3A_501, %parallel_loop3A_502], %parallel_loop3A_498 {strides = array<i32>} : memref<2x128x128xf32, #tpu.memory_space<vmem>>, vector<16xf32>,
        %parallel_loop3A_504 = arith.constant 1 : i32
        %parallel_loop3A_505 = arith.index_cast %parallel_loop3A_504 : i32 to index
        %parallel_loop3A_506 = arith.index_cast %parallel_loop3A_473 : i32 to index
        %parallel_loop3A_507 = arith.constant 16 : index
        %parallel_loop3A_508 = tpu.vector_load %arg18[%parallel_loop3A_505, %parallel_loop3A_506, %parallel_loop3A_507] {strides = array<i32>} : memref<2x128x32xf32, #tpu.memory_space<vmem>>, vector<16xf32>,
        %parallel_loop3A_509 = arith.constant 1 : i32
        %parallel_loop3A_510 = arith.index_cast %parallel_loop3A_509 : i32 to index
        %parallel_loop3A_511 = arith.index_cast %parallel_loop3A_473 : i32 to index
        %parallel_loop3A_512 = arith.constant 112 : index
        %parallel_loop3A_513 = tpu.vector_load %arg16[%parallel_loop3A_510, %parallel_loop3A_511, %parallel_loop3A_512] {strides = array<i32>} : memref<2x128x128xf32, #tpu.memory_space<vmem>>, vector<16xf32>,
        tpu.vector_store %arg16[%parallel_loop3A_510, %parallel_loop3A_511, %parallel_loop3A_512], %parallel_loop3A_508 {strides = array<i32>} : memref<2x128x128xf32, #tpu.memory_space<vmem>>, vector<16xf32>,
      } {sc.loop_unroll_factor = 8 : i64, sc.parallel_access}
      %add3A_358 = arith.constant 1 : i32
      %add3A_359 = arith.addi %mul3A_245, %add3A_358 : i32
      %mul3A_360 = arith.constant 128 : i32
      %mul3A_361 = arith.muli %add3A_359, %mul3A_360 : i32
      %add3A_362 = arith.addi %mul3A_2, %mul3A_361 : i32
      %dma_start3A_363 = arith.constant 1 : i32
      %dma_start3A_364 = arith.constant 0 : i32
      %dma_start3A_365 = arith.constant 0 : i32
      %dma_start3A_366 = tpu.memref_slice %arg16[%dma_start3A_363, %dma_start3A_364, %dma_start3A_365] : memref<2x128x128xf32, #tpu.memory_space<vmem>> -> memref<1x128x128xf32, #tpu.memory_space<vmem>>
      %dma_start3A_367 = tpu.memref_squeeze %dma_start3A_366 : memref<1x128x128xf32, #tpu.memory_space<vmem>> -> memref<128x128xf32, #tpu.memory_space<vmem>>
      %dma_start3A_368 = arith.constant 0 : i32
      %dma_start3A_369 = tpu.memref_slice %arg8[%add3A_362, %dma_start3A_368] : memref<204800x128xf32, #tpu.memory_space<hbm>> -> memref<128x128xf32, #tpu.memory_space<hbm>>
      %dma_start3A_370 = arith.constant 0 : i32
      %dma_start3A_371 = tpu.memref_slice %arg8[%add3A_362, %dma_start3A_370] : memref<204800x128xf32, #tpu.memory_space<hbm>> -> memref<128x128xf32, #tpu.memory_space<hbm>>
      %dma_start3A_372 = arith.constant 0 : i32
      %dma_start3A_373 = arith.constant 0 : i32
      %dma_start3A_374 = tpu.memref_slice %arg16[%dma_start3A_363, %dma_start3A_372, %dma_start3A_373] : memref<2x128x128xf32, #tpu.memory_space<vmem>> -> memref<1x128x128xf32, #tpu.memory_space<vmem>>
      %dma_start3A_375 = tpu.memref_squeeze %dma_start3A_374 : memref<1x128x128xf32, #tpu.memory_space<vmem>> -> memref<128x128xf32, #tpu.memory_space<vmem>>
      tpu.enqueue_dma source(%dma_start3A_375 : memref<128x128xf32, #tpu.memory_space<vmem>>) target(%dma_start3A_371 : memref<128x128xf32, #tpu.memory_space<hbm>>) target_semaphore(%arg22 : memref<!tpu.dma_semaphore, #tpu.memory_space<semaphore_mem>>)
      %dma_wait3A_376 = arith.constant 0 : i32
      %dma_wait3A_377 = arith.constant 0 : i32
      %dma_wait3A_378 = arith.constant 0 : i32
      %dma_wait3A_379 = tpu.memref_slice %arg16[%dma_wait3A_376, %dma_wait3A_377, %dma_wait3A_378] : memref<2x128x128xf32, #tpu.memory_space<vmem>> -> memref<1x128x128xf32, #tpu.memory_space<vmem>>
      %dma_wait3A_380 = tpu.memref_squeeze %dma_wait3A_379 : memref<1x128x128xf32, #tpu.memory_space<vmem>> -> memref<128x128xf32, #tpu.memory_space<vmem>>
      %dma_wait3A_381 = arith.constant 0 : i32
      %dma_wait3A_382 = tpu.memref_slice %arg8[%mul3A_2, %dma_wait3A_381] : memref<204800x128xf32, #tpu.memory_space<hbm>> -> memref<128x128xf32, #tpu.memory_space<hbm>>
      %dma_wait3A_383 = arith.constant 0 : i32
      %dma_wait3A_384 = tpu.memref_slice %arg8[%mul3A_2, %dma_wait3A_383] : memref<204800x128xf32, #tpu.memory_space<hbm>> -> memref<128x128xf32, #tpu.memory_space<hbm>>
      %dma_wait3A_385 = arith.constant 0 : i32
      %dma_wait3A_386 = arith.constant 0 : i32
      %dma_wait3A_387 = tpu.memref_slice %arg16[%dma_wait3A_376, %dma_wait3A_385, %dma_wait3A_386] : memref<2x128x128xf32, #tpu.memory_space<vmem>> -> memref<1x128x128xf32, #tpu.memory_space<vmem>>
      %dma_wait3A_388 = tpu.memref_squeeze %dma_wait3A_387 : memref<1x128x128xf32, #tpu.memory_space<vmem>> -> memref<128x128xf32, #tpu.memory_space<vmem>>
      tpu.wait_dma2 semaphore(%arg21 : memref<!tpu.dma_semaphore, #tpu.memory_space<semaphore_mem>>) src(%dma_wait3A_388 : memref<128x128xf32, #tpu.memory_space<vmem>>) dst(%dma_wait3A_384 : memref<128x128xf32, #tpu.memory_space<hbm>>)
      %add3A_389 = arith.constant 2 : i32
      %add3A_390 = arith.addi %mul3A_245, %add3A_389 : i32
      %mul3A_391 = arith.constant 128 : i32
      %mul3A_392 = arith.muli %add3A_390, %mul3A_391 : i32
      %dma_start3A_393 = arith.constant 0 : i32
      %dma_start3A_394 = arith.constant 0 : i32
      %dma_start3A_395 = arith.constant 0 : i32
      %dma_start3A_396 = tpu.memref_slice %arg15[%dma_start3A_393, %dma_start3A_394, %dma_start3A_395] : memref<2x128x128xf32, #tpu.memory_space<vmem>> -> memref<1x128x128xf32, #tpu.memory_space<vmem>>
      %dma_start3A_397 = tpu.memref_squeeze %dma_start3A_396 : memref<1x128x128xf32, #tpu.memory_space<vmem>> -> memref<128x128xf32, #tpu.memory_space<vmem>>
      %dma_start3A_398 = tpu.memref_slice %arg11[%mul3A_392] : memref<6400xi32, #tpu.memory_space<vmem>> -> memref<128xi32, #tpu.memory_space<vmem>>
      %dma_start3A_399 = arith.constant 0 : i32
      %dma_start3A_400 = arith.constant 0 : i32
      %dma_start3A_401 = tpu.memref_slice %arg5[%dma_start3A_399, %dma_start3A_400] : memref<512000x128xf32, #tpu.memory_space<hbm>> -> memref<512000x128xf32, #tpu.memory_space<hbm>>
      tpu.enqueue_indirect_dma source(%dma_start3A_401 : memref<512000x128xf32, #tpu.memory_space<hbm>>) target(%dma_start3A_397 : memref<128x128xf32, #tpu.memory_space<vmem>>) offsets(%dma_start3A_398 : memref<128xi32, #tpu.memory_space<vmem>>) semaphore(%arg19 : memref<!tpu.dma_semaphore, #tpu.memory_space<semaphore_mem>>)
      %mul3A_402 = arith.constant 128 : i32
      %mul3A_403 = arith.muli %add3A_390, %mul3A_402 : i32
      %dma_start3A_404 = arith.constant 0 : i32
      %dma_start3A_405 = arith.constant 0 : i32
      %dma_start3A_406 = arith.constant 0 : i32
      %dma_start3A_407 = tpu.memref_slice %arg17[%dma_start3A_404, %dma_start3A_405, %dma_start3A_406] : memref<2x128x32xf32, #tpu.memory_space<vmem>> -> memref<1x128x32xf32, #tpu.memory_space<vmem>>
      %dma_start3A_408 = tpu.memref_squeeze %dma_start3A_407 : memref<1x128x32xf32, #tpu.memory_space<vmem>> -> memref<128x32xf32, #tpu.memory_space<vmem>>
      %dma_start3A_409 = tpu.memref_slice %arg13[%mul3A_403] : memref<6400xi32, #tpu.memory_space<vmem>> -> memref<128xi32, #tpu.memory_space<vmem>>
      %dma_start3A_410 = arith.constant 0 : i32
      %dma_start3A_411 = arith.constant 0 : i32
      %dma_start3A_412 = tpu.memref_slice %arg6[%dma_start3A_410, %dma_start3A_411] : memref<100000x32xf32, #tpu.memory_space<hbm>> -> memref<100000x32xf32, #tpu.memory_space<hbm>>
      tpu.enqueue_indirect_dma source(%dma_start3A_412 : memref<100000x32xf32, #tpu.memory_space<hbm>>) target(%dma_start3A_408 : memref<128x32xf32, #tpu.memory_space<vmem>>) offsets(%dma_start3A_409 : memref<128xi32, #tpu.memory_space<vmem>>) semaphore(%arg19 : memref<!tpu.dma_semaphore, #tpu.memory_space<semaphore_mem>>)
      %mul3A_413 = arith.constant 128 : i32
      %mul3A_414 = arith.muli %add3A_390, %mul3A_413 : i32
      %dma_start3A_415 = arith.constant 0 : i32
      %dma_start3A_416 = arith.constant 0 : i32
      %dma_start3A_417 = arith.constant 0 : i32
      %dma_start3A_418 = tpu.memref_slice %arg18[%dma_start3A_415, %dma_start3A_416, %dma_start3A_417] : memref<2x128x32xf32, #tpu.memory_space<vmem>> -> memref<1x128x32xf32, #tpu.memory_space<vmem>>
      %dma_start3A_419 = tpu.memref_squeeze %dma_start3A_418 : memref<1x128x32xf32, #tpu.memory_space<vmem>> -> memref<128x32xf32, #tpu.memory_space<vmem>>
      %dma_start3A_420 = tpu.memref_slice %arg14[%mul3A_414] : memref<6400xi32, #tpu.memory_space<vmem>> -> memref<128xi32, #tpu.memory_space<vmem>>
      %dma_start3A_421 = arith.constant 0 : i32
      %dma_start3A_422 = arith.constant 0 : i32
      %dma_start3A_423 = tpu.memref_slice %arg7[%dma_start3A_421, %dma_start3A_422] : memref<100000x32xf32, #tpu.memory_space<hbm>> -> memref<100000x32xf32, #tpu.memory_space<hbm>>
      tpu.enqueue_indirect_dma source(%dma_start3A_423 : memref<100000x32xf32, #tpu.memory_space<hbm>>) target(%dma_start3A_419 : memref<128x32xf32, #tpu.memory_space<vmem>>) offsets(%dma_start3A_420 : memref<128xi32, #tpu.memory_space<vmem>>) semaphore(%arg19 : memref<!tpu.dma_semaphore, #tpu.memory_space<semaphore_mem>>)
      %dma_wait3A_424 = arith.constant 1 : i32
      %dma_wait3A_425 = arith.constant 0 : i32
      %dma_wait3A_426 = arith.constant 0 : i32
      %dma_wait3A_427 = tpu.memref_slice %arg16[%dma_wait3A_424, %dma_wait3A_425, %dma_wait3A_426] : memref<2x128x128xf32, #tpu.memory_space<vmem>> -> memref<1x128x128xf32, #tpu.memory_space<vmem>>
      %dma_wait3A_428 = tpu.memref_squeeze %dma_wait3A_427 : memref<1x128x128xf32, #tpu.memory_space<vmem>> -> memref<128x128xf32, #tpu.memory_space<vmem>>
      %dma_wait3A_429 = arith.constant 0 : i32
      %dma_wait3A_430 = tpu.memref_slice %arg8[%mul3A_2, %dma_wait3A_429] : memref<204800x128xf32, #tpu.memory_space<hbm>> -> memref<128x128xf32, #tpu.memory_space<hbm>>
      %dma_wait3A_431 = arith.constant 0 : i32
      %dma_wait3A_432 = tpu.memref_slice %arg8[%mul3A_2, %dma_wait3A_431] : memref<204800x128xf32, #tpu.memory_space<hbm>> -> memref<128x128xf32, #tpu.memory_space<hbm>>
      %dma_wait3A_433 = arith.constant 0 : i32
      %dma_wait3A_434 = arith.constant 0 : i32
      %dma_wait3A_435 = tpu.memref_slice %arg16[%dma_wait3A_424, %dma_wait3A_433, %dma_wait3A_434] : memref<2x128x128xf32, #tpu.memory_space<vmem>> -> memref<1x128x128xf32, #tpu.memory_space<vmem>>
      %dma_wait3A_436 = tpu.memref_squeeze %dma_wait3A_435 : memref<1x128x128xf32, #tpu.memory_space<vmem>> -> memref<128x128xf32, #tpu.memory_space<vmem>>
      tpu.wait_dma2 semaphore(%arg22 : memref<!tpu.dma_semaphore, #tpu.memory_space<semaphore_mem>>) src(%dma_wait3A_436 : memref<128x128xf32, #tpu.memory_space<vmem>>) dst(%dma_wait3A_432 : memref<128x128xf32, #tpu.memory_space<hbm>>)
      %add3A_437 = arith.constant 3 : i32
      %add3A_438 = arith.addi %mul3A_245, %add3A_437 : i32
      %mul3A_439 = arith.constant 128 : i32
      %mul3A_440 = arith.muli %add3A_438, %mul3A_439 : i32
      %dma_start3A_441 = arith.constant 1 : i32
      %dma_start3A_442 = arith.constant 0 : i32
      %dma_start3A_443 = arith.constant 0 : i32
      %dma_start3A_444 = tpu.memref_slice %arg15[%dma_start3A_441, %dma_start3A_442, %dma_start3A_443] : memref<2x128x128xf32, #tpu.memory_space<vmem>> -> memref<1x128x128xf32, #tpu.memory_space<vmem>>
      %dma_start3A_445 = tpu.memref_squeeze %dma_start3A_444 : memref<1x128x128xf32, #tpu.memory_space<vmem>> -> memref<128x128xf32, #tpu.memory_space<vmem>>
      %dma_start3A_446 = tpu.memref_slice %arg11[%mul3A_440] : memref<6400xi32, #tpu.memory_space<vmem>> -> memref<128xi32, #tpu.memory_space<vmem>>
      %dma_start3A_447 = arith.constant 0 : i32
      %dma_start3A_448 = arith.constant 0 : i32
      %dma_start3A_449 = tpu.memref_slice %arg5[%dma_start3A_447, %dma_start3A_448] : memref<512000x128xf32, #tpu.memory_space<hbm>> -> memref<512000x128xf32, #tpu.memory_space<hbm>>
      tpu.enqueue_indirect_dma source(%dma_start3A_449 : memref<512000x128xf32, #tpu.memory_space<hbm>>) target(%dma_start3A_445 : memref<128x128xf32, #tpu.memory_space<vmem>>) offsets(%dma_start3A_446 : memref<128xi32, #tpu.memory_space<vmem>>) semaphore(%arg20 : memref<!tpu.dma_semaphore, #tpu.memory_space<semaphore_mem>>)
      %mul3A_450 = arith.constant 128 : i32
      %mul3A_451 = arith.muli %add3A_438, %mul3A_450 : i32
      %dma_start3A_452 = arith.constant 1 : i32
      %dma_start3A_453 = arith.constant 0 : i32
      %dma_start3A_454 = arith.constant 0 : i32
      %dma_start3A_455 = tpu.memref_slice %arg17[%dma_start3A_452, %dma_start3A_453, %dma_start3A_454] : memref<2x128x32xf32, #tpu.memory_space<vmem>> -> memref<1x128x32xf32, #tpu.memory_space<vmem>>
      %dma_start3A_456 = tpu.memref_squeeze %dma_start3A_455 : memref<1x128x32xf32, #tpu.memory_space<vmem>> -> memref<128x32xf32, #tpu.memory_space<vmem>>
      %dma_start3A_457 = tpu.memref_slice %arg13[%mul3A_451] : memref<6400xi32, #tpu.memory_space<vmem>> -> memref<128xi32, #tpu.memory_space<vmem>>
      %dma_start3A_458 = arith.constant 0 : i32
      %dma_start3A_459 = arith.constant 0 : i32
      %dma_start3A_460 = tpu.memref_slice %arg6[%dma_start3A_458, %dma_start3A_459] : memref<100000x32xf32, #tpu.memory_space<hbm>> -> memref<100000x32xf32, #tpu.memory_space<hbm>>
      tpu.enqueue_indirect_dma source(%dma_start3A_460 : memref<100000x32xf32, #tpu.memory_space<hbm>>) target(%dma_start3A_456 : memref<128x32xf32, #tpu.memory_space<vmem>>) offsets(%dma_start3A_457 : memref<128xi32, #tpu.memory_space<vmem>>) semaphore(%arg20 : memref<!tpu.dma_semaphore, #tpu.memory_space<semaphore_mem>>)
      %mul3A_461 = arith.constant 128 : i32
      %mul3A_462 = arith.muli %add3A_438, %mul3A_461 : i32
      %dma_start3A_463 = arith.constant 1 : i32
      %dma_start3A_464 = arith.constant 0 : i32
      %dma_start3A_465 = arith.constant 0 : i32
      %dma_start3A_466 = tpu.memref_slice %arg18[%dma_start3A_463, %dma_start3A_464, %dma_start3A_465] : memref<2x128x32xf32, #tpu.memory_space<vmem>> -> memref<1x128x32xf32, #tpu.memory_space<vmem>>
      %dma_start3A_467 = tpu.memref_squeeze %dma_start3A_466 : memref<1x128x32xf32, #tpu.memory_space<vmem>> -> memref<128x32xf32, #tpu.memory_space<vmem>>
      %dma_start3A_468 = tpu.memref_slice %arg14[%mul3A_462] : memref<6400xi32, #tpu.memory_space<vmem>> -> memref<128xi32, #tpu.memory_space<vmem>>
      %dma_start3A_469 = arith.constant 0 : i32
      %dma_start3A_470 = arith.constant 0 : i32
      %dma_start3A_471 = tpu.memref_slice %arg7[%dma_start3A_469, %dma_start3A_470] : memref<100000x32xf32, #tpu.memory_space<hbm>> -> memref<100000x32xf32, #tpu.memory_space<hbm>>
      tpu.enqueue_indirect_dma source(%dma_start3A_471 : memref<100000x32xf32, #tpu.memory_space<hbm>>) target(%dma_start3A_467 : memref<128x32xf32, #tpu.memory_space<vmem>>) offsets(%dma_start3A_468 : memref<128xi32, #tpu.memory_space<vmem>>) semaphore(%arg20 : memref<!tpu.dma_semaphore, #tpu.memory_space<semaphore_mem>>)
      %scan3A_472 = arith.constant 0 : i32
      scf.yield %scan3A_472 : i32
    }
    %scan3A_101 = arith.constant 24 : i32
    %dma_wait3A = arith.constant 0 : i32
    %dma_wait3A_102 = arith.constant 0 : i32
    %dma_wait3A_103 = arith.constant 0 : i32
    %dma_wait3A_104 = tpu.memref_slice %arg15[%dma_wait3A, %dma_wait3A_102, %dma_wait3A_103] : memref<2x128x128xf32, #tpu.memory_space<vmem>> -> memref<1x128x128xf32, #tpu.memory_space<vmem>>
    %dma_wait3A_105 = tpu.memref_squeeze %dma_wait3A_104 : memref<1x128x128xf32, #tpu.memory_space<vmem>> -> memref<128x128xf32, #tpu.memory_space<vmem>>
    %dma_wait3A_106 = arith.constant 6144 : i32
    %dma_wait3A_107 = tpu.memref_slice %arg11[%dma_wait3A_106] : memref<6400xi32, #tpu.memory_space<vmem>> -> memref<128xi32, #tpu.memory_space<vmem>>
    %dma_wait3A_108 = arith.constant 0 : i32
    %dma_wait3A_109 = arith.constant 0 : i32
    %dma_wait3A_110 = tpu.memref_slice %arg5[%dma_wait3A_108, %dma_wait3A_109] : memref<512000x128xf32, #tpu.memory_space<hbm>> -> memref<512000x128xf32, #tpu.memory_space<hbm>>
    tpu.wait_indirect_dma semaphore(%arg19 : memref<!tpu.dma_semaphore, #tpu.memory_space<semaphore_mem>>) src(%dma_wait3A_110 : memref<512000x128xf32, #tpu.memory_space<hbm>>) dst(%dma_wait3A_105 : memref<128x128xf32, #tpu.memory_space<vmem>>)
    %dma_wait3A_111 = arith.constant 0 : i32
    %dma_wait3A_112 = arith.constant 0 : i32
    %dma_wait3A_113 = arith.constant 0 : i32
    %dma_wait3A_114 = tpu.memref_slice %arg17[%dma_wait3A_111, %dma_wait3A_112, %dma_wait3A_113] : memref<2x128x32xf32, #tpu.memory_space<vmem>> -> memref<1x128x32xf32, #tpu.memory_space<vmem>>
    %dma_wait3A_115 = tpu.memref_squeeze %dma_wait3A_114 : memref<1x128x32xf32, #tpu.memory_space<vmem>> -> memref<128x32xf32, #tpu.memory_space<vmem>>
    %dma_wait3A_116 = arith.constant 6144 : i32
    %dma_wait3A_117 = tpu.memref_slice %arg13[%dma_wait3A_116] : memref<6400xi32, #tpu.memory_space<vmem>> -> memref<128xi32, #tpu.memory_space<vmem>>
    %dma_wait3A_118 = arith.constant 0 : i32
    %dma_wait3A_119 = arith.constant 0 : i32
    %dma_wait3A_120 = tpu.memref_slice %arg6[%dma_wait3A_118, %dma_wait3A_119] : memref<100000x32xf32, #tpu.memory_space<hbm>> -> memref<100000x32xf32, #tpu.memory_space<hbm>>
    tpu.wait_indirect_dma semaphore(%arg19 : memref<!tpu.dma_semaphore, #tpu.memory_space<semaphore_mem>>) src(%dma_wait3A_120 : memref<100000x32xf32, #tpu.memory_space<hbm>>) dst(%dma_wait3A_115 : memref<128x32xf32, #tpu.memory_space<vmem>>)
    %dma_wait3A_121 = arith.constant 0 : i32
    %dma_wait3A_122 = arith.constant 0 : i32
    %dma_wait3A_123 = arith.constant 0 : i32
    %dma_wait3A_124 = tpu.memref_slice %arg18[%dma_wait3A_121, %dma_wait3A_122, %dma_wait3A_123] : memref<2x128x32xf32, #tpu.memory_space<vmem>> -> memref<1x128x32xf32, #tpu.memory_space<vmem>>
    %dma_wait3A_125 = tpu.memref_squeeze %dma_wait3A_124 : memref<1x128x32xf32, #tpu.memory_space<vmem>> -> memref<128x32xf32, #tpu.memory_space<vmem>>
    %dma_wait3A_126 = arith.constant 6144 : i32
    %dma_wait3A_127 = tpu.memref_slice %arg14[%dma_wait3A_126] : memref<6400xi32, #tpu.memory_space<vmem>> -> memref<128xi32, #tpu.memory_space<vmem>>
    %dma_wait3A_128 = arith.constant 0 : i32
    %dma_wait3A_129 = arith.constant 0 : i32
    %dma_wait3A_130 = tpu.memref_slice %arg7[%dma_wait3A_128, %dma_wait3A_129] : memref<100000x32xf32, #tpu.memory_space<hbm>> -> memref<100000x32xf32, #tpu.memory_space<hbm>>
    tpu.wait_indirect_dma semaphore(%arg19 : memref<!tpu.dma_semaphore, #tpu.memory_space<semaphore_mem>>) src(%dma_wait3A_130 : memref<100000x32xf32, #tpu.memory_space<hbm>>) dst(%dma_wait3A_125 : memref<128x32xf32, #tpu.memory_space<vmem>>)
    %iota3A_131 = tpu.iota {dimensions = array<i32: 0>} : vector<16xi32>
    %scan3A_132 = arith.constant 0 : i32
    %scan3A_133 = arith.constant 0 : i32
    %scan3A_134 = arith.constant 0 : i32
    %scan3A_135 = arith.constant 0 : i32
    %scan3A_136 = arith.constant 8 : i32
    %scan3A_137 = arith.addi %scan3A_135, %scan3A_136 : i32
    %scan3A_138 = arith.constant 1 : i32
    %scan3A_139 = scf.for %scan3A_242 = %scan3A_135 to %scan3A_137 step %scan3A_138 iter_args(%scan3A_243 = %scan3A_134) -> (i32)  : i32 {
      %mul3A_244 = arith.constant 16 : i32
      %mul3A_245 = arith.muli %scan3A_242, %mul3A_244 : i32
      %add3A_246 = arith.constant 6144 : i32
      %add3A_247 = arith.addi %add3A_246, %mul3A_245 : i32
      %get3A = arith.index_cast %add3A_247 : i32 to index
      %get3A_248 = tpu.vector_load %arg12[%get3A] {strides = array<i32>} : memref<6400xi32, #tpu.memory_space<vmem>>, vector<16xi32>,
      %mul3A_249 = arith.constant 16 : i32
      %mul3A_250 = arith.muli %scan3A_242, %mul3A_249 : i32
      %add3A_251 = vector.broadcast %mul3A_250 : i32 to vector<16xi32>
      %add3A_252 = arith.addi %add3A_251, %iota3A_131 : vector<16xi32>
      %mul3A_253 = arith.constant 0 : i32
      %mul3A_254 = vector.broadcast %mul3A_253 : i32 to vector<16xi32>
      %mul3A_255 = arith.muli %get3A_248, %mul3A_254 : vector<16xi32>
      %parallel_loop3A_256 = arith.constant 0 : i32
      %parallel_loop3A_257 = arith.constant 64 : i32
      %parallel_loop3A_258 = arith.constant 1 : i32
      scf.for %parallel_loop3A_260 = %parallel_loop3A_256 to %parallel_loop3A_257 step %parallel_loop3A_258  : i32 {
        %parallel_loop3A_261 = vector.broadcast %parallel_loop3A_260 : i32 to vector<16xi32>
        %parallel_loop3A_262 = arith.addi %get3A_248, %parallel_loop3A_261 : vector<16xi32>
        %parallel_loop3A_263 = arith.constant 0 : i32
        %parallel_loop3A_264 = arith.constant 0 : i32
        %parallel_loop3A_265 = tpu.memref_slice %arg15[%scan3A_132, %parallel_loop3A_263, %parallel_loop3A_264] : memref<2x128x128xf32, #tpu.memory_space<vmem>> -> memref<1x128x128xf32, #tpu.memory_space<vmem>>
        %parallel_loop3A_266 = tpu.memref_squeeze %parallel_loop3A_265 : memref<1x128x128xf32, #tpu.memory_space<vmem>> -> memref<128x128xf32, #tpu.memory_space<vmem>>
        %parallel_loop3A_267 = tpu.vector_load_idx %parallel_loop3A_266[%add3A_252, %parallel_loop3A_262] : memref<128x128xf32, #tpu.memory_space<vmem>>[vector<16xi32>, vector<16xi32>], vector<16xf32>,
        %parallel_loop3A_268 = vector.broadcast %parallel_loop3A_260 : i32 to vector<16xi32>
        %parallel_loop3A_269 = arith.addi %mul3A_255, %parallel_loop3A_268 : vector<16xi32>
        %parallel_loop3A_270 = arith.constant 0 : i32
        %parallel_loop3A_271 = arith.constant 0 : i32
        %parallel_loop3A_272 = tpu.memref_slice %arg16[%scan3A_133, %parallel_loop3A_270, %parallel_loop3A_271] : memref<2x128x128xf32, #tpu.memory_space<vmem>> -> memref<1x128x128xf32, #tpu.memory_space<vmem>>
        %parallel_loop3A_273 = tpu.memref_squeeze %parallel_loop3A_272 : memref<1x128x128xf32, #tpu.memory_space<vmem>> -> memref<128x128xf32, #tpu.memory_space<vmem>>
        tpu.vector_store_idx %parallel_loop3A_273[%add3A_252, %parallel_loop3A_269], %parallel_loop3A_267 : memref<128x128xf32, #tpu.memory_space<vmem>>[vector<16xi32>, vector<16xi32>], vector<16xf32>,
      } {sc.loop_unroll_factor = 8 : i64, sc.parallel_access}
      %scan3A_259 = arith.constant 0 : i32
      scf.yield %scan3A_259 : i32
    }
    %scan3A_140 = arith.constant 8 : i32
    %parallel_loop3A = arith.constant 0 : i32
    %parallel_loop3A_141 = arith.constant 128 : i32
    %parallel_loop3A_142 = arith.constant 1 : i32
    scf.for %parallel_loop3A_242 = %parallel_loop3A to %parallel_loop3A_141 step %parallel_loop3A_142  : i32 {
      %parallel_loop3A_243 = arith.constant 0 : i32
      %parallel_loop3A_244 = arith.index_cast %parallel_loop3A_243 : i32 to index
      %parallel_loop3A_245 = arith.index_cast %parallel_loop3A_242 : i32 to index
      %parallel_loop3A_246 = arith.constant 0 : index
      %parallel_loop3A_247 = tpu.vector_load %arg17[%parallel_loop3A_244, %parallel_loop3A_245, %parallel_loop3A_246] {strides = array<i32>} : memref<2x128x32xf32, #tpu.memory_space<vmem>>, vector<16xf32>,
      %parallel_loop3A_248 = arith.constant 0 : i32
      %parallel_loop3A_249 = arith.index_cast %parallel_loop3A_248 : i32 to index
      %parallel_loop3A_250 = arith.index_cast %parallel_loop3A_242 : i32 to index
      %parallel_loop3A_251 = arith.constant 64 : index
      %parallel_loop3A_252 = tpu.vector_load %arg16[%parallel_loop3A_249, %parallel_loop3A_250, %parallel_loop3A_251] {strides = array<i32>} : memref<2x128x128xf32, #tpu.memory_space<vmem>>, vector<16xf32>,
      tpu.vector_store %arg16[%parallel_loop3A_249, %parallel_loop3A_250, %parallel_loop3A_251], %parallel_loop3A_247 {strides = array<i32>} : memref<2x128x128xf32, #tpu.memory_space<vmem>>, vector<16xf32>,
      %parallel_loop3A_253 = arith.constant 0 : i32
      %parallel_loop3A_254 = arith.index_cast %parallel_loop3A_253 : i32 to index
      %parallel_loop3A_255 = arith.index_cast %parallel_loop3A_242 : i32 to index
      %parallel_loop3A_256 = arith.constant 0 : index
      %parallel_loop3A_257 = tpu.vector_load %arg18[%parallel_loop3A_254, %parallel_loop3A_255, %parallel_loop3A_256] {strides = array<i32>} : memref<2x128x32xf32, #tpu.memory_space<vmem>>, vector<16xf32>,
      %parallel_loop3A_258 = arith.constant 0 : i32
      %parallel_loop3A_259 = arith.index_cast %parallel_loop3A_258 : i32 to index
      %parallel_loop3A_260 = arith.index_cast %parallel_loop3A_242 : i32 to index
      %parallel_loop3A_261 = arith.constant 96 : index
      %parallel_loop3A_262 = tpu.vector_load %arg16[%parallel_loop3A_259, %parallel_loop3A_260, %parallel_loop3A_261] {strides = array<i32>} : memref<2x128x128xf32, #tpu.memory_space<vmem>>, vector<16xf32>,
      tpu.vector_store %arg16[%parallel_loop3A_259, %parallel_loop3A_260, %parallel_loop3A_261], %parallel_loop3A_257 {strides = array<i32>} : memref<2x128x128xf32, #tpu.memory_space<vmem>>, vector<16xf32>,
      %parallel_loop3A_263 = arith.constant 0 : i32
      %parallel_loop3A_264 = arith.index_cast %parallel_loop3A_263 : i32 to index
      %parallel_loop3A_265 = arith.index_cast %parallel_loop3A_242 : i32 to index
      %parallel_loop3A_266 = arith.constant 16 : index
      %parallel_loop3A_267 = tpu.vector_load %arg17[%parallel_loop3A_264, %parallel_loop3A_265, %parallel_loop3A_266] {strides = array<i32>} : memref<2x128x32xf32, #tpu.memory_space<vmem>>, vector<16xf32>,
      %parallel_loop3A_268 = arith.constant 0 : i32
      %parallel_loop3A_269 = arith.index_cast %parallel_loop3A_268 : i32 to index
      %parallel_loop3A_270 = arith.index_cast %parallel_loop3A_242 : i32 to index
      %parallel_loop3A_271 = arith.constant 80 : index
      %parallel_loop3A_272 = tpu.vector_load %arg16[%parallel_loop3A_269, %parallel_loop3A_270, %parallel_loop3A_271] {strides = array<i32>} : memref<2x128x128xf32, #tpu.memory_space<vmem>>, vector<16xf32>,
      tpu.vector_store %arg16[%parallel_loop3A_269, %parallel_loop3A_270, %parallel_loop3A_271], %parallel_loop3A_267 {strides = array<i32>} : memref<2x128x128xf32, #tpu.memory_space<vmem>>, vector<16xf32>,
      %parallel_loop3A_273 = arith.constant 0 : i32
      %parallel_loop3A_274 = arith.index_cast %parallel_loop3A_273 : i32 to index
      %parallel_loop3A_275 = arith.index_cast %parallel_loop3A_242 : i32 to index
      %parallel_loop3A_276 = arith.constant 16 : index
      %parallel_loop3A_277 = tpu.vector_load %arg18[%parallel_loop3A_274, %parallel_loop3A_275, %parallel_loop3A_276] {strides = array<i32>} : memref<2x128x32xf32, #tpu.memory_space<vmem>>, vector<16xf32>,
      %parallel_loop3A_278 = arith.constant 0 : i32
      %parallel_loop3A_279 = arith.index_cast %parallel_loop3A_278 : i32 to index
      %parallel_loop3A_280 = arith.index_cast %parallel_loop3A_242 : i32 to index
      %parallel_loop3A_281 = arith.constant 112 : index
      %parallel_loop3A_282 = tpu.vector_load %arg16[%parallel_loop3A_279, %parallel_loop3A_280, %parallel_loop3A_281] {strides = array<i32>} : memref<2x128x128xf32, #tpu.memory_space<vmem>>, vector<16xf32>,
      tpu.vector_store %arg16[%parallel_loop3A_279, %parallel_loop3A_280, %parallel_loop3A_281], %parallel_loop3A_277 {strides = array<i32>} : memref<2x128x128xf32, #tpu.memory_space<vmem>>, vector<16xf32>,
    } {sc.loop_unroll_factor = 8 : i64, sc.parallel_access}
    %add3A_143 = arith.constant 6144 : i32
    %add3A_144 = arith.addi %mul3A_2, %add3A_143 : i32
    %dma_start3A_145 = arith.constant 0 : i32
    %dma_start3A_146 = arith.constant 0 : i32
    %dma_start3A_147 = arith.constant 0 : i32
    %dma_start3A_148 = tpu.memref_slice %arg16[%dma_start3A_145, %dma_start3A_146, %dma_start3A_147] : memref<2x128x128xf32, #tpu.memory_space<vmem>> -> memref<1x128x128xf32, #tpu.memory_space<vmem>>
    %dma_start3A_149 = tpu.memref_squeeze %dma_start3A_148 : memref<1x128x128xf32, #tpu.memory_space<vmem>> -> memref<128x128xf32, #tpu.memory_space<vmem>>
    %dma_start3A_150 = arith.constant 0 : i32
    %dma_start3A_151 = tpu.memref_slice %arg8[%add3A_144, %dma_start3A_150] : memref<204800x128xf32, #tpu.memory_space<hbm>> -> memref<128x128xf32, #tpu.memory_space<hbm>>
    %dma_start3A_152 = arith.constant 0 : i32
    %dma_start3A_153 = tpu.memref_slice %arg8[%add3A_144, %dma_start3A_152] : memref<204800x128xf32, #tpu.memory_space<hbm>> -> memref<128x128xf32, #tpu.memory_space<hbm>>
    %dma_start3A_154 = arith.constant 0 : i32
    %dma_start3A_155 = arith.constant 0 : i32
    %dma_start3A_156 = tpu.memref_slice %arg16[%dma_start3A_145, %dma_start3A_154, %dma_start3A_155] : memref<2x128x128xf32, #tpu.memory_space<vmem>> -> memref<1x128x128xf32, #tpu.memory_space<vmem>>
    %dma_start3A_157 = tpu.memref_squeeze %dma_start3A_156 : memref<1x128x128xf32, #tpu.memory_space<vmem>> -> memref<128x128xf32, #tpu.memory_space<vmem>>
    tpu.enqueue_dma source(%dma_start3A_157 : memref<128x128xf32, #tpu.memory_space<vmem>>) target(%dma_start3A_153 : memref<128x128xf32, #tpu.memory_space<hbm>>) target_semaphore(%arg21 : memref<!tpu.dma_semaphore, #tpu.memory_space<semaphore_mem>>)
    %dma_wait3A_158 = arith.constant 1 : i32
    %dma_wait3A_159 = arith.constant 0 : i32
    %dma_wait3A_160 = arith.constant 0 : i32
    %dma_wait3A_161 = tpu.memref_slice %arg15[%dma_wait3A_158, %dma_wait3A_159, %dma_wait3A_160] : memref<2x128x128xf32, #tpu.memory_space<vmem>> -> memref<1x128x128xf32, #tpu.memory_space<vmem>>
    %dma_wait3A_162 = tpu.memref_squeeze %dma_wait3A_161 : memref<1x128x128xf32, #tpu.memory_space<vmem>> -> memref<128x128xf32, #tpu.memory_space<vmem>>
    %dma_wait3A_163 = arith.constant 6272 : i32
    %dma_wait3A_164 = tpu.memref_slice %arg11[%dma_wait3A_163] : memref<6400xi32, #tpu.memory_space<vmem>> -> memref<128xi32, #tpu.memory_space<vmem>>
    %dma_wait3A_165 = arith.constant 0 : i32
    %dma_wait3A_166 = arith.constant 0 : i32
    %dma_wait3A_167 = tpu.memref_slice %arg5[%dma_wait3A_165, %dma_wait3A_166] : memref<512000x128xf32, #tpu.memory_space<hbm>> -> memref<512000x128xf32, #tpu.memory_space<hbm>>
    tpu.wait_indirect_dma semaphore(%arg20 : memref<!tpu.dma_semaphore, #tpu.memory_space<semaphore_mem>>) src(%dma_wait3A_167 : memref<512000x128xf32, #tpu.memory_space<hbm>>) dst(%dma_wait3A_162 : memref<128x128xf32, #tpu.memory_space<vmem>>)
    %dma_wait3A_168 = arith.constant 1 : i32
    %dma_wait3A_169 = arith.constant 0 : i32
    %dma_wait3A_170 = arith.constant 0 : i32
    %dma_wait3A_171 = tpu.memref_slice %arg17[%dma_wait3A_168, %dma_wait3A_169, %dma_wait3A_170] : memref<2x128x32xf32, #tpu.memory_space<vmem>> -> memref<1x128x32xf32, #tpu.memory_space<vmem>>
    %dma_wait3A_172 = tpu.memref_squeeze %dma_wait3A_171 : memref<1x128x32xf32, #tpu.memory_space<vmem>> -> memref<128x32xf32, #tpu.memory_space<vmem>>
    %dma_wait3A_173 = arith.constant 6272 : i32
    %dma_wait3A_174 = tpu.memref_slice %arg13[%dma_wait3A_173] : memref<6400xi32, #tpu.memory_space<vmem>> -> memref<128xi32, #tpu.memory_space<vmem>>
    %dma_wait3A_175 = arith.constant 0 : i32
    %dma_wait3A_176 = arith.constant 0 : i32
    %dma_wait3A_177 = tpu.memref_slice %arg6[%dma_wait3A_175, %dma_wait3A_176] : memref<100000x32xf32, #tpu.memory_space<hbm>> -> memref<100000x32xf32, #tpu.memory_space<hbm>>
    tpu.wait_indirect_dma semaphore(%arg20 : memref<!tpu.dma_semaphore, #tpu.memory_space<semaphore_mem>>) src(%dma_wait3A_177 : memref<100000x32xf32, #tpu.memory_space<hbm>>) dst(%dma_wait3A_172 : memref<128x32xf32, #tpu.memory_space<vmem>>)
    %dma_wait3A_178 = arith.constant 1 : i32
    %dma_wait3A_179 = arith.constant 0 : i32
    %dma_wait3A_180 = arith.constant 0 : i32
    %dma_wait3A_181 = tpu.memref_slice %arg18[%dma_wait3A_178, %dma_wait3A_179, %dma_wait3A_180] : memref<2x128x32xf32, #tpu.memory_space<vmem>> -> memref<1x128x32xf32, #tpu.memory_space<vmem>>
    %dma_wait3A_182 = tpu.memref_squeeze %dma_wait3A_181 : memref<1x128x32xf32, #tpu.memory_space<vmem>> -> memref<128x32xf32, #tpu.memory_space<vmem>>
    %dma_wait3A_183 = arith.constant 6272 : i32
    %dma_wait3A_184 = tpu.memref_slice %arg14[%dma_wait3A_183] : memref<6400xi32, #tpu.memory_space<vmem>> -> memref<128xi32, #tpu.memory_space<vmem>>
    %dma_wait3A_185 = arith.constant 0 : i32
    %dma_wait3A_186 = arith.constant 0 : i32
    %dma_wait3A_187 = tpu.memref_slice %arg7[%dma_wait3A_185, %dma_wait3A_186] : memref<100000x32xf32, #tpu.memory_space<hbm>> -> memref<100000x32xf32, #tpu.memory_space<hbm>>
    tpu.wait_indirect_dma semaphore(%arg20 : memref<!tpu.dma_semaphore, #tpu.memory_space<semaphore_mem>>) src(%dma_wait3A_187 : memref<100000x32xf32, #tpu.memory_space<hbm>>) dst(%dma_wait3A_182 : memref<128x32xf32, #tpu.memory_space<vmem>>)
    %iota3A_188 = tpu.iota {dimensions = array<i32: 0>} : vector<16xi32>
    %scan3A_189 = arith.constant 1 : i32
    %scan3A_190 = arith.constant 1 : i32
    %scan3A_191 = arith.constant 0 : i32
    %scan3A_192 = arith.constant 0 : i32
    %scan3A_193 = arith.constant 8 : i32
    %scan3A_194 = arith.addi %scan3A_192, %scan3A_193 : i32
    %scan3A_195 = arith.constant 1 : i32
    %scan3A_196 = scf.for %scan3A_242 = %scan3A_192 to %scan3A_194 step %scan3A_195 iter_args(%scan3A_243 = %scan3A_191) -> (i32)  : i32 {
      %mul3A_244 = arith.constant 16 : i32
      %mul3A_245 = arith.muli %scan3A_242, %mul3A_244 : i32
      %add3A_246 = arith.constant 6272 : i32
      %add3A_247 = arith.addi %add3A_246, %mul3A_245 : i32
      %get3A = arith.index_cast %add3A_247 : i32 to index
      %get3A_248 = tpu.vector_load %arg12[%get3A] {strides = array<i32>} : memref<6400xi32, #tpu.memory_space<vmem>>, vector<16xi32>,
      %mul3A_249 = arith.constant 16 : i32
      %mul3A_250 = arith.muli %scan3A_242, %mul3A_249 : i32
      %add3A_251 = vector.broadcast %mul3A_250 : i32 to vector<16xi32>
      %add3A_252 = arith.addi %add3A_251, %iota3A_188 : vector<16xi32>
      %mul3A_253 = arith.constant 0 : i32
      %mul3A_254 = vector.broadcast %mul3A_253 : i32 to vector<16xi32>
      %mul3A_255 = arith.muli %get3A_248, %mul3A_254 : vector<16xi32>
      %parallel_loop3A_256 = arith.constant 0 : i32
      %parallel_loop3A_257 = arith.constant 64 : i32
      %parallel_loop3A_258 = arith.constant 1 : i32
      scf.for %parallel_loop3A_260 = %parallel_loop3A_256 to %parallel_loop3A_257 step %parallel_loop3A_258  : i32 {
        %parallel_loop3A_261 = vector.broadcast %parallel_loop3A_260 : i32 to vector<16xi32>
        %parallel_loop3A_262 = arith.addi %get3A_248, %parallel_loop3A_261 : vector<16xi32>
        %parallel_loop3A_263 = arith.constant 0 : i32
        %parallel_loop3A_264 = arith.constant 0 : i32
        %parallel_loop3A_265 = tpu.memref_slice %arg15[%scan3A_189, %parallel_loop3A_263, %parallel_loop3A_264] : memref<2x128x128xf32, #tpu.memory_space<vmem>> -> memref<1x128x128xf32, #tpu.memory_space<vmem>>
        %parallel_loop3A_266 = tpu.memref_squeeze %parallel_loop3A_265 : memref<1x128x128xf32, #tpu.memory_space<vmem>> -> memref<128x128xf32, #tpu.memory_space<vmem>>
        %parallel_loop3A_267 = tpu.vector_load_idx %parallel_loop3A_266[%add3A_252, %parallel_loop3A_262] : memref<128x128xf32, #tpu.memory_space<vmem>>[vector<16xi32>, vector<16xi32>], vector<16xf32>,
        %parallel_loop3A_268 = vector.broadcast %parallel_loop3A_260 : i32 to vector<16xi32>
        %parallel_loop3A_269 = arith.addi %mul3A_255, %parallel_loop3A_268 : vector<16xi32>
        %parallel_loop3A_270 = arith.constant 0 : i32
        %parallel_loop3A_271 = arith.constant 0 : i32
        %parallel_loop3A_272 = tpu.memref_slice %arg16[%scan3A_190, %parallel_loop3A_270, %parallel_loop3A_271] : memref<2x128x128xf32, #tpu.memory_space<vmem>> -> memref<1x128x128xf32, #tpu.memory_space<vmem>>
        %parallel_loop3A_273 = tpu.memref_squeeze %parallel_loop3A_272 : memref<1x128x128xf32, #tpu.memory_space<vmem>> -> memref<128x128xf32, #tpu.memory_space<vmem>>
        tpu.vector_store_idx %parallel_loop3A_273[%add3A_252, %parallel_loop3A_269], %parallel_loop3A_267 : memref<128x128xf32, #tpu.memory_space<vmem>>[vector<16xi32>, vector<16xi32>], vector<16xf32>,
      } {sc.loop_unroll_factor = 8 : i64, sc.parallel_access}
      %scan3A_259 = arith.constant 0 : i32
      scf.yield %scan3A_259 : i32
    }
    %scan3A_197 = arith.constant 8 : i32
    %parallel_loop3A_198 = arith.constant 0 : i32
    %parallel_loop3A_199 = arith.constant 128 : i32
    %parallel_loop3A_200 = arith.constant 1 : i32
    scf.for %parallel_loop3A_242 = %parallel_loop3A_198 to %parallel_loop3A_199 step %parallel_loop3A_200  : i32 {
      %parallel_loop3A_243 = arith.constant 1 : i32
      %parallel_loop3A_244 = arith.index_cast %parallel_loop3A_243 : i32 to index
      %parallel_loop3A_245 = arith.index_cast %parallel_loop3A_242 : i32 to index
      %parallel_loop3A_246 = arith.constant 0 : index
      %parallel_loop3A_247 = tpu.vector_load %arg17[%parallel_loop3A_244, %parallel_loop3A_245, %parallel_loop3A_246] {strides = array<i32>} : memref<2x128x32xf32, #tpu.memory_space<vmem>>, vector<16xf32>,
      %parallel_loop3A_248 = arith.constant 1 : i32
      %parallel_loop3A_249 = arith.index_cast %parallel_loop3A_248 : i32 to index
      %parallel_loop3A_250 = arith.index_cast %parallel_loop3A_242 : i32 to index
      %parallel_loop3A_251 = arith.constant 64 : index
      %parallel_loop3A_252 = tpu.vector_load %arg16[%parallel_loop3A_249, %parallel_loop3A_250, %parallel_loop3A_251] {strides = array<i32>} : memref<2x128x128xf32, #tpu.memory_space<vmem>>, vector<16xf32>,
      tpu.vector_store %arg16[%parallel_loop3A_249, %parallel_loop3A_250, %parallel_loop3A_251], %parallel_loop3A_247 {strides = array<i32>} : memref<2x128x128xf32, #tpu.memory_space<vmem>>, vector<16xf32>,
      %parallel_loop3A_253 = arith.constant 1 : i32
      %parallel_loop3A_254 = arith.index_cast %parallel_loop3A_253 : i32 to index
      %parallel_loop3A_255 = arith.index_cast %parallel_loop3A_242 : i32 to index
      %parallel_loop3A_256 = arith.constant 0 : index
      %parallel_loop3A_257 = tpu.vector_load %arg18[%parallel_loop3A_254, %parallel_loop3A_255, %parallel_loop3A_256] {strides = array<i32>} : memref<2x128x32xf32, #tpu.memory_space<vmem>>, vector<16xf32>,
      %parallel_loop3A_258 = arith.constant 1 : i32
      %parallel_loop3A_259 = arith.index_cast %parallel_loop3A_258 : i32 to index
      %parallel_loop3A_260 = arith.index_cast %parallel_loop3A_242 : i32 to index
      %parallel_loop3A_261 = arith.constant 96 : index
      %parallel_loop3A_262 = tpu.vector_load %arg16[%parallel_loop3A_259, %parallel_loop3A_260, %parallel_loop3A_261] {strides = array<i32>} : memref<2x128x128xf32, #tpu.memory_space<vmem>>, vector<16xf32>,
      tpu.vector_store %arg16[%parallel_loop3A_259, %parallel_loop3A_260, %parallel_loop3A_261], %parallel_loop3A_257 {strides = array<i32>} : memref<2x128x128xf32, #tpu.memory_space<vmem>>, vector<16xf32>,
      %parallel_loop3A_263 = arith.constant 1 : i32
      %parallel_loop3A_264 = arith.index_cast %parallel_loop3A_263 : i32 to index
      %parallel_loop3A_265 = arith.index_cast %parallel_loop3A_242 : i32 to index
      %parallel_loop3A_266 = arith.constant 16 : index
      %parallel_loop3A_267 = tpu.vector_load %arg17[%parallel_loop3A_264, %parallel_loop3A_265, %parallel_loop3A_266] {strides = array<i32>} : memref<2x128x32xf32, #tpu.memory_space<vmem>>, vector<16xf32>,
      %parallel_loop3A_268 = arith.constant 1 : i32
      %parallel_loop3A_269 = arith.index_cast %parallel_loop3A_268 : i32 to index
      %parallel_loop3A_270 = arith.index_cast %parallel_loop3A_242 : i32 to index
      %parallel_loop3A_271 = arith.constant 80 : index
      %parallel_loop3A_272 = tpu.vector_load %arg16[%parallel_loop3A_269, %parallel_loop3A_270, %parallel_loop3A_271] {strides = array<i32>} : memref<2x128x128xf32, #tpu.memory_space<vmem>>, vector<16xf32>,
      tpu.vector_store %arg16[%parallel_loop3A_269, %parallel_loop3A_270, %parallel_loop3A_271], %parallel_loop3A_267 {strides = array<i32>} : memref<2x128x128xf32, #tpu.memory_space<vmem>>, vector<16xf32>,
      %parallel_loop3A_273 = arith.constant 1 : i32
      %parallel_loop3A_274 = arith.index_cast %parallel_loop3A_273 : i32 to index
      %parallel_loop3A_275 = arith.index_cast %parallel_loop3A_242 : i32 to index
      %parallel_loop3A_276 = arith.constant 16 : index
      %parallel_loop3A_277 = tpu.vector_load %arg18[%parallel_loop3A_274, %parallel_loop3A_275, %parallel_loop3A_276] {strides = array<i32>} : memref<2x128x32xf32, #tpu.memory_space<vmem>>, vector<16xf32>,
      %parallel_loop3A_278 = arith.constant 1 : i32
      %parallel_loop3A_279 = arith.index_cast %parallel_loop3A_278 : i32 to index
      %parallel_loop3A_280 = arith.index_cast %parallel_loop3A_242 : i32 to index
      %parallel_loop3A_281 = arith.constant 112 : index
      %parallel_loop3A_282 = tpu.vector_load %arg16[%parallel_loop3A_279, %parallel_loop3A_280, %parallel_loop3A_281] {strides = array<i32>} : memref<2x128x128xf32, #tpu.memory_space<vmem>>, vector<16xf32>,
      tpu.vector_store %arg16[%parallel_loop3A_279, %parallel_loop3A_280, %parallel_loop3A_281], %parallel_loop3A_277 {strides = array<i32>} : memref<2x128x128xf32, #tpu.memory_space<vmem>>, vector<16xf32>,
    } {sc.loop_unroll_factor = 8 : i64, sc.parallel_access}
    %add3A_201 = arith.constant 6272 : i32
    %add3A_202 = arith.addi %mul3A_2, %add3A_201 : i32
    %dma_start3A_203 = arith.constant 1 : i32
    %dma_start3A_204 = arith.constant 0 : i32
    %dma_start3A_205 = arith.constant 0 : i32
    %dma_start3A_206 = tpu.memref_slice %arg16[%dma_start3A_203, %dma_start3A_204, %dma_start3A_205] : memref<2x128x128xf32, #tpu.memory_space<vmem>> -> memref<1x128x128xf32, #tpu.memory_space<vmem>>
    %dma_start3A_207 = tpu.memref_squeeze %dma_start3A_206 : memref<1x128x128xf32, #tpu.memory_space<vmem>> -> memref<128x128xf32, #tpu.memory_space<vmem>>
    %dma_start3A_208 = arith.constant 0 : i32
    %dma_start3A_209 = tpu.memref_slice %arg8[%add3A_202, %dma_start3A_208] : memref<204800x128xf32, #tpu.memory_space<hbm>> -> memref<128x128xf32, #tpu.memory_space<hbm>>
    %dma_start3A_210 = arith.constant 0 : i32
    %dma_start3A_211 = tpu.memref_slice %arg8[%add3A_202, %dma_start3A_210] : memref<204800x128xf32, #tpu.memory_space<hbm>> -> memref<128x128xf32, #tpu.memory_space<hbm>>
    %dma_start3A_212 = arith.constant 0 : i32
    %dma_start3A_213 = arith.constant 0 : i32
    %dma_start3A_214 = tpu.memref_slice %arg16[%dma_start3A_203, %dma_start3A_212, %dma_start3A_213] : memref<2x128x128xf32, #tpu.memory_space<vmem>> -> memref<1x128x128xf32, #tpu.memory_space<vmem>>
    %dma_start3A_215 = tpu.memref_squeeze %dma_start3A_214 : memref<1x128x128xf32, #tpu.memory_space<vmem>> -> memref<128x128xf32, #tpu.memory_space<vmem>>
    tpu.enqueue_dma source(%dma_start3A_215 : memref<128x128xf32, #tpu.memory_space<vmem>>) target(%dma_start3A_211 : memref<128x128xf32, #tpu.memory_space<hbm>>) target_semaphore(%arg22 : memref<!tpu.dma_semaphore, #tpu.memory_space<semaphore_mem>>)
    %dma_wait3A_216 = arith.constant 0 : i32
    %dma_wait3A_217 = arith.constant 0 : i32
    %dma_wait3A_218 = arith.constant 0 : i32
    %dma_wait3A_219 = tpu.memref_slice %arg16[%dma_wait3A_216, %dma_wait3A_217, %dma_wait3A_218] : memref<2x128x128xf32, #tpu.memory_space<vmem>> -> memref<1x128x128xf32, #tpu.memory_space<vmem>>
    %dma_wait3A_220 = tpu.memref_squeeze %dma_wait3A_219 : memref<1x128x128xf32, #tpu.memory_space<vmem>> -> memref<128x128xf32, #tpu.memory_space<vmem>>
    %dma_wait3A_221 = arith.constant 0 : i32
    %dma_wait3A_222 = tpu.memref_slice %arg8[%mul3A_2, %dma_wait3A_221] : memref<204800x128xf32, #tpu.memory_space<hbm>> -> memref<128x128xf32, #tpu.memory_space<hbm>>
    %dma_wait3A_223 = arith.constant 0 : i32
    %dma_wait3A_224 = tpu.memref_slice %arg8[%mul3A_2, %dma_wait3A_223] : memref<204800x128xf32, #tpu.memory_space<hbm>> -> memref<128x128xf32, #tpu.memory_space<hbm>>
    %dma_wait3A_225 = arith.constant 0 : i32
    %dma_wait3A_226 = arith.constant 0 : i32
    %dma_wait3A_227 = tpu.memref_slice %arg16[%dma_wait3A_216, %dma_wait3A_225, %dma_wait3A_226] : memref<2x128x128xf32, #tpu.memory_space<vmem>> -> memref<1x128x128xf32, #tpu.memory_space<vmem>>
    %dma_wait3A_228 = tpu.memref_squeeze %dma_wait3A_227 : memref<1x128x128xf32, #tpu.memory_space<vmem>> -> memref<128x128xf32, #tpu.memory_space<vmem>>
    tpu.wait_dma2 semaphore(%arg21 : memref<!tpu.dma_semaphore, #tpu.memory_space<semaphore_mem>>) src(%dma_wait3A_228 : memref<128x128xf32, #tpu.memory_space<vmem>>) dst(%dma_wait3A_224 : memref<128x128xf32, #tpu.memory_space<hbm>>)
    %dma_wait3A_229 = arith.constant 1 : i32
    %dma_wait3A_230 = arith.constant 0 : i32
    %dma_wait3A_231 = arith.constant 0 : i32
    %dma_wait3A_232 = tpu.memref_slice %arg16[%dma_wait3A_229, %dma_wait3A_230, %dma_wait3A_231] : memref<2x128x128xf32, #tpu.memory_space<vmem>> -> memref<1x128x128xf32, #tpu.memory_space<vmem>>
    %dma_wait3A_233 = tpu.memref_squeeze %dma_wait3A_232 : memref<1x128x128xf32, #tpu.memory_space<vmem>> -> memref<128x128xf32, #tpu.memory_space<vmem>>
    %dma_wait3A_234 = arith.constant 0 : i32
    %dma_wait3A_235 = tpu.memref_slice %arg8[%mul3A_2, %dma_wait3A_234] : memref<204800x128xf32, #tpu.memory_space<hbm>> -> memref<128x128xf32, #tpu.memory_space<hbm>>
    %dma_wait3A_236 = arith.constant 0 : i32
    %dma_wait3A_237 = tpu.memref_slice %arg8[%mul3A_2, %dma_wait3A_236] : memref<204800x128xf32, #tpu.memory_space<hbm>> -> memref<128x128xf32, #tpu.memory_space<hbm>>
    %dma_wait3A_238 = arith.constant 0 : i32
    %dma_wait3A_239 = arith.constant 0 : i32
    %dma_wait3A_240 = tpu.memref_slice %arg16[%dma_wait3A_229, %dma_wait3A_238, %dma_wait3A_239] : memref<2x128x128xf32, #tpu.memory_space<vmem>> -> memref<1x128x128xf32, #tpu.memory_space<vmem>>
    %dma_wait3A_241 = tpu.memref_squeeze %dma_wait3A_240 : memref<1x128x128xf32, #tpu.memory_space<vmem>> -> memref<128x128xf32, #tpu.memory_space<vmem>>
    tpu.wait_dma2 semaphore(%arg22 : memref<!tpu.dma_semaphore, #tpu.memory_space<semaphore_mem>>) src(%dma_wait3A_241 : memref<128x128xf32, #tpu.memory_space<vmem>>) dst(%dma_wait3A_237 : memref<128x128xf32, #tpu.memory_space<hbm>>)
    return
  }
}

module attributes {stable_mosaic.version = 14 : i64} {
  func.func @_tr_kernel(%arg0: i32, %arg1: memref<64x2048xf32, #tpu.memory_space<vmem>>, %arg2: memref<64x2048xf32, #tpu.memory_space<vmem>>, %arg3: memref<2048x128xf32, #tpu.memory_space<vmem>>) attributes {dimension_semantics = [#tpu.dimension_semantics<arbitrary>], iteration_bounds = array<i64: 250>, scalar_prefetch = 0 : i64, scratch_operands = 0 : i64, tpu.core_type = #tpu.core_type<tc>, window_params = [{transform_indices = @transform_0, window_bounds = array<i64: 64, 2048>}, {transform_indices = @transform_1, window_bounds = array<i64: 64, 2048>}, {transform_indices = @transform_2, window_bounds = array<i64: 2048, 128>}]} {
    %get3A = arith.constant 0 : index
    %get3A_0 = arith.constant 0 : index
    %get3A_1 = vector.load %arg1[%get3A, %get3A_0] : memref<64x2048xf32, #tpu.memory_space<vmem>>, vector<64x2048xf32>
    %transpose3A = tpu.transpose %get3A_1, [1, 0] : vector<64x2048xf32> -> vector<2048x64xf32>
    %swap3A = arith.constant 0 : index
    %swap3A_2 = arith.constant 0 : index
    %swap3A_3 = vector.load %arg3[%swap3A, %swap3A_2] : memref<2048x128xf32, #tpu.memory_space<vmem>>, vector<2048x64xf32>
    tpu.vector_store %arg3[%swap3A, %swap3A_2], %transpose3A {strides = array<i32>} : memref<2048x128xf32, #tpu.memory_space<vmem>>, vector<2048x64xf32>,
    %get3A_4 = arith.constant 0 : index
    %get3A_5 = arith.constant 0 : index
    %get3A_6 = vector.load %arg2[%get3A_4, %get3A_5] : memref<64x2048xf32, #tpu.memory_space<vmem>>, vector<64x2048xf32>
    %transpose3A_7 = tpu.transpose %get3A_6, [1, 0] : vector<64x2048xf32> -> vector<2048x64xf32>
    %swap3A_8 = arith.constant 0 : index
    %swap3A_9 = arith.constant 64 : index
    %swap3A_10 = vector.load %arg3[%swap3A_8, %swap3A_9] : memref<2048x128xf32, #tpu.memory_space<vmem>>, vector<2048x64xf32>
    tpu.vector_store %arg3[%swap3A_8, %swap3A_9], %transpose3A_7 {strides = array<i32>} : memref<2048x128xf32, #tpu.memory_space<vmem>>, vector<2048x64xf32>,
    return
  }
  func.func @transform_0(%arg0: i32) -> (i32, i32) {
    %c0_i32 = arith.constant 0 : i32
    %c0_i32_0 = arith.constant 0 : i32
    return %c0_i32, %arg0 : i32, i32
  }
  func.func @transform_1(%arg0: i32) -> (i32, i32) {
    %add3A = arith.constant 250 : i32
    %add3A_0 = arith.addi %arg0, %add3A : i32
    %le3A = arith.constant 488 : i32
    %le3A_1 = arith.cmpi sle, %add3A_0, %le3A : i32
    %add3A_2 = arith.constant 250 : i32
    %add3A_3 = arith.addi %arg0, %add3A_2 : i32
    %jit3A = arith.constant 0 : i32
    %select_n3A = arith.select %le3A_1, %add3A_3, %jit3A : i32
    %c0_i32 = arith.constant 0 : i32
    %c0_i32_4 = arith.constant 0 : i32
    return %c0_i32, %select_n3A : i32, i32
  }
  func.func @transform_2(%arg0: i32) -> (i32, i32) {
    %c0_i32 = arith.constant 0 : i32
    %c0_i32_0 = arith.constant 0 : i32
    return %arg0, %c0_i32 : i32, i32
  }
}

</mosaic_0001>

<sc_bundles>
// kernel: _wordrep.4.cloned.1.call-start
scs
__scs_entry_jumppad:
0x0: {  	(pc) =	sbr.rel $0x88, $3  }
0x1: {  	(tag) =	ssettag $0x0;
	lr =	simm.s32 $0x1  }
0x2: {  	[smem:$0x3F9B] =	sst lr;
	_ =	strace $0xD0000000  }
0x3: {  	_ = 	snop  }
0x4: {  	_ = 	snop  }
0x5: {  	_ = 	snop  }
0x6: {  	_ = 	snop  }
0x7: {  	_ = 	snop  }
__scs_overlays_trampoline_lowered:
0x8: {  	[smem:$0x3FAA] =	sst s0  }
0x9: {  	[smem:$0x3FAB] =	sst s1  }
0xa: {  	[smem:$0x3FAC] =	sst s2  }
0xb: {  	[smem:$0x3FAD] =	sst s3  }
0xc: {  	[smem:$0x3FAE] =	sst s4  }
0xd: {  	[smem:$0x3FAF] =	sst s5  }
0xe: {  	[smem:$0x3FB0] =	sst s6  }
0xf: {  	[smem:$0x3FB1] =	sst s7  }
0x10: {  	[smem:$0x3FB2] =	sst s8  }
0x11: {  	[smem:$0x3FB3] =	sst s9;
	s0 =	simm.s32 @!p0 $0x0  }
0x12: {  	s1 =	sld [smem:$0x3F99];
	s0 =	simm.s32 @p0 $0x1  }
0x13: {  	[smem:$0x3FB4] =	sst s0;
	s0 =	simm.s32 @!p1 $0x0  }
0x14: {  	s2 =	sld [smem:$0x3F98];
	s0 =	simm.s32 @p1 $0x1  }
0x15: {  	[smem:$0x3FB5] =	sst s0;
	s0 =	simm.s32 @!p2 $0x0  }
0x16: {  	s3 =	sld [smem:$0x3FDB];
	s0 =	simm.s32 @p2 $0x1  }
0x17: {  	s4 =	simm.s32 $0x1BF5;
	[smem:$0x3FB7] =	sst s0  }
0x18: {  	s0 =	sld [smem:$0x3F9A];
	_ =	swait.ge [sflag:s4], $0x0  }
0x19: {  	s7 =	sld [smem:$0x3F9B]  }
0x1a: {  	s8 =	sadd.s32 $0xFFFFE003, lr  }
0x1b: {  	s9 =	sadd.s32 $0xFFFFFEF7, lr;
	s5 =	simm.s32 $0xFFFFFFFF;
	p2 =	slt.u32 s8, $0xFFFFF086  }
0x1c: {  	p1 =	slt.u32 s9, $0xF7A;
	s5 =	simm.s32 @!p2 $0x0  }
0x1d: {  	s5 =	simm.s32 @p1 $0x1;
	p0 =	seq.s32 s7, s2  }
0x1e: {  	s7 =	smul.u32 @!p0 $0xF7A, s2;
	p2 =	seq.s32 @!p0 s5, $0x0  }
0x1f: {  	s9 =	smul.u32 $0xF7A, s1;
	s8 =	simm.s32 @!p0 $0x1BF5;
	p2 =	por !p2, p0  }
0x20: {  	[sflag:s8] =	ssyncset.s32 @!p0 $0xFFFFF086;
	s6 =	sadd.s32 @!p0 s3, s7;
	s7 =	simm.s32 @!p0 $0x108  }
0x21: {  	s3 =	sadd.s32 s3, s9;
	s6 =	sadd.s32 @!p0 $0x88, s6;
	s7 =	simm.s32 @p2 $0x1082  }
0x22: {  	[simem:s7], [sflag:s8] =	dma.local @!p0 [hbm:s6], $0xF7A  }
0x23: {  	s9 =	sor.u32 $0xD0000000, s2;
	s6 =	simm.s32 $0x108;
	_ =	swait.ge @!p0 [sflag:s8], $0x0  }
0x24: {  	s3 =	sadd.s32 $0x88, s3;
	s6 =	simm.s32 @!p1 $0x1082;
	[sflag:s4] =	ssyncset.s32 $0xFFFFF086  }
0x25: {  	[simem:s6], [sflag:s4] =	dma.local [hbm:s3], $0xF7A  }
0x26: {  	[smem:$0x3F9B] =	sst s1;
	(tag) =	ssettag s2;
	_ =	strace s9  }
0x27: {  	s1 =	sld [smem:$0x3FAB]  }
0x28: {  	s2 =	sld [smem:$0x3FAC]  }
0x29: {  	s4 =	sld [smem:$0x3FAE]  }
0x2a: {  	p0 =	seq.s32 s5, $0x0;
	s5 =	sld [smem:$0x3FAF]  }
0x2b: {  	s6 =	sld [smem:$0x3FB0]  }
0x2c: {  	s7 =	sld [smem:$0x3FB1]  }
0x2d: {  	s3 =	simm.s32 $0x108;
	s8 =	sld [smem:$0x3FB2]  }
0x2e: {  	s3 =	simm.s32 @!p0 $0x1082;
	s9 =	sld [smem:$0x3FB3]  }
0x2f: {  	lr =	sadd.s32 s0, s3;
	s0 =	sld [smem:$0x3FAA]  }
0x30: {  	s3 =	sld [smem:$0x3FAD]  }
0x31: {  	[smem:$0x3FB6] =	sst s10  }
0x32: {  	s10 =	sld [smem:$0x3FB4];
	_ =	sdelay $0x3  }
0x33: {  	p0 =	seq.s32 s10, $0x1;
	s10 =	sld [smem:$0x3FB6];
	_ =	sdelay $0x3  }
0x34: {  	[smem:$0x3FB6] =	sst s10  }
0x35: {  	s10 =	sld [smem:$0x3FB5];
	_ =	sdelay $0x3  }
0x36: {  	p1 =	seq.s32 s10, $0x1;
	s10 =	sld [smem:$0x3FB6];
	_ =	sdelay $0x3  }
0x37: {  	[smem:$0x3FB6] =	sst s10  }
0x38: {  	s10 =	sld [smem:$0x3FB7]  }
0x39: {  	_ = 	snop;
	(pc) =	sbr.ind lr, $3  }
0x3a: {  	_ = 	snop  }
0x3b: {  	_ = 	snop  }
0x3c: {  	p2 =	seq.s32 s10, $0x1;
	s10 =	sld [smem:$0x3FB6]  }
0x3d: {  	_ =	shalt  }
0x3e: {  	_ =	shalt  }
0x3f: {  	_ =	shalt  }
0x40: {  	_ =	shalt  }
0x41: {  	_ =	shalt  }
0x42: {  	_ =	shalt  }
0x43: {  	_ =	shalt  }
0x44: {  	_ =	shalt  }
0x45: {  	_ =	shalt  }
0x46: {  	_ =	shalt  }
0x47: {  	_ =	shalt  }
0x48: {  	_ =	shalt  }
0x49: {  	_ =	shalt  }
0x4a: {  	_ =	shalt  }
0x4b: {  	_ =	shalt  }
0x4c: {  	_ =	shalt  }
0x4d: {  	_ =	shalt  }
0x4e: {  	_ =	shalt  }
0x4f: {  	_ =	shalt  }
0x50: {  	_ =	shalt  }
0x51: {  	_ =	shalt  }
0x52: {  	_ =	shalt  }
0x53: {  	_ =	shalt  }
0x54: {  	_ =	shalt  }
0x55: {  	_ =	shalt  }
0x56: {  	_ =	shalt  }
0x57: {  	_ =	shalt  }
0x58: {  	_ =	shalt  }
0x59: {  	_ =	shalt  }
0x5a: {  	_ =	shalt  }
0x5b: {  	_ =	shalt  }
0x5c: {  	_ =	shalt  }
0x5d: {  	_ =	shalt  }
0x5e: {  	_ =	shalt  }
0x5f: {  	_ =	shalt  }
0x60: {  	_ =	shalt  }
0x61: {  	_ =	shalt  }
0x62: {  	_ =	shalt  }
0x63: {  	_ =	shalt  }
0x64: {  	_ =	shalt  }
0x65: {  	_ =	shalt  }
0x66: {  	_ =	shalt  }
0x67: {  	_ =	shalt  }
0x68: {  	_ =	shalt  }
0x69: {  	_ =	shalt  }
0x6a: {  	_ =	shalt  }
0x6b: {  	_ =	shalt  }
0x6c: {  	_ =	shalt  }
0x6d: {  	_ =	shalt  }
0x6e: {  	_ =	shalt  }
0x6f: {  	_ =	shalt  }
0x70: {  	_ =	shalt  }
0x71: {  	_ =	shalt  }
0x72: {  	_ =	shalt  }
0x73: {  	_ =	shalt  }
0x74: {  	_ =	shalt  }
0x75: {  	_ =	shalt  }
0x76: {  	_ =	shalt  }
0x77: {  	_ =	shalt  }
0x78: {  	_ =	shalt  }
0x79: {  	_ =	shalt  }
0x7a: {  	_ =	shalt  }
0x7b: {  	_ =	shalt  }
0x7c: {  	_ =	shalt  }
0x7d: {  	_ =	shalt  }
0x7e: {  	_ =	shalt  }
0x7f: {  	_ =	shalt  }
0x80: {  	_ =	shalt  }
0x81: {  	_ =	shalt  }
0x82: {  	_ =	shalt  }
0x83: {  	_ =	shalt  }
0x84: {  	_ =	shalt  }
0x85: {  	_ =	shalt  }
0x86: {  	_ =	shalt  }
0x87: {  	_ =	shalt  }
.Lfunc_end0:
.L_simem_size_0:
called_computation_lowered:
.L_overlay_start_0:
0x88: {  	s2 =	sld [smem:$0x3FD9]  }
0x89: {  	s3 =	sld [smem:$0x3FFE];
	_ =	sdelay $0x1  }
0x8a: {  	s1 =	srdreg.scid  }
0x8b: {  	s0 =	sand.u32 $0x1, s1  }
0x8c: {  	s17 =	sshll.u32 s0, $0xA;
	s2 =	sadd.s32 s3, s2  }
0x8d: {  	s2 =	sadd.s32 s2, s17  }
0x8e: {  	[smem:$0x3FC2] =	sst s2  }
0x8f: {  	_ = 	snop  }
0x90: {  	s2 =	sld [smem:$0x3FD0];
	(tm) =	ssettm $0x1  }
0x91: {  	s18 =	sld [smem:$0x3FFB];
	_ =	sdelay $0x3  }
0x92: {  	_ =	strace s18  }
0x93: {  	s3 =	sld [smem:$0x3FFC];
	_ =	sdelay $0x3  }
0x94: {  	_ =	strace s3  }
0x95: {  	s3 =	sld [smem:$0x3FFD];
	_ =	sdelay $0x3  }
0x96: {  	_ =	strace s3  }
0x97: {  	_ =	strace $0x8FFFFFFF  }
0x98: {  	s19 =	sld [smem:$0x3FDB];
	_ =	sdelay $0x1  }
0x99: {  	s4 =	simm.s32 $_scs_section_size  }
0x9a: {  	s5 =	simm.s32 $_size__tile_overlayer_lowered;
	s6 =	simm.s32 $_tile_overlayer_lowered  }
0x9b: {  	s22 =	simm.s32 $0x1BFF;
	s21 =	sshll.u32 s6, $0x1;
	s3 =	sadd.s32 s4, s19  }
0x9c: {  	s7 =	simm.s32 $0x0;
	s20 =	sshll.u32 s5, $0x1;
	s5 =	sadd.s32 s21, s3  }
0x9d: {  	[timem:s7], [sflag:s22] =	dma.local [hbm:s5], s20  }
0x9e: {  	_ =	swait.ge [sflag:s22], s20  }
0x9f: {  	s4 =	ssub.s32 $0x0, s20;
	[sflag:s22] =	ssyncset.done $0x0  }
0xa0: {  	[sflag:s22] =	ssyncadd.s32 s4;
	_ =	sdelay $0x1  }
0xa1: {  	s23 =	simm.s32 $0x1B8B  }
0xa2: {  	_ =	swait.ge [sflag:s23], $0x1  }
0xa3: {  	[sflag:s23] =	ssyncset.done $0x0  }
0xa4: {  	s25 =	simm.s32 $0x1B8E;
	s24 =	sld [smem:$0x3FFE];
	[sflag:s23] =	ssyncadd.s32 $0xFFFFFFFF  }
0xa5: {  	s26 =	simm.s32 $execute0_lowered;
	[smem:$0x3FD2] =	sst s25  }
0xa6: {  	s5 =	sshll.u32 s26, $0x1;
	_ =	strace $0x80000046;
	[dreg:$0x1] =	wrdreg $0xFFFFFFFF  }
0xa7: {  	s28 =	simm.s32 $_size_execute0_lowered;
	s3 =	sadd.s32 s3, s5;
	[dreg:$0x0] =	wrdreg $0x0  }
0xa8: {  	s5 =	sshll.u32 s28, $0x1;
	[dreg:$0x2] =	wrdreg s3  }
0xa9: {  	[dreg:$0x3] =	wrdreg s5  }
0xaa: {  	[dreg:$0x4] =	wrdreg $0xC0  }
0xab: {  	_ =	task [dreg:s7], $0x5FFFF  }
0xac: {  	[dreg:$0x1] =	wrdreg $0xFFFFFFFF  }
0xad: {  	[dreg:$0x0] =	wrdreg $0x60  }
0xae: {  	[dreg:$0x2] =	wrdreg s24  }
0xaf: {  	[dreg:$0x3] =	wrdreg s2  }
0xb0: {  	[dreg:$0x4] =	wrdreg $0x9  }
0xb1: {  	_ =	task.clear_ibuf [dreg:s7], $0x5FFFF;
	_ =	strace $0x90000046  }
0xb2: {  	s29 =	simm.s32 $0x9;
	_ =	strace $0x80000048  }
0xb3: {  	_ =	swait.ge [sflag:s29], $0x1  }
0xb4: {  	[sflag:s29] =	ssyncadd.s32 $0xFFFFFFFF  }
0xb5: {  	_ =	strace $0x90000048  }
0xb6: {  	_ =	sfence  }
0xb7: {  	s30 =	sld [smem:$0x0];
	_ =	sdelay $0x2  }
0xb8: {  	s31 =	sshll.u32 s1, $0xD;
	s1 =	sshrl.u32 s1, $0x2  }
0xb9: {  	s3 =	sand.u32 $0x4000, s31;
	s1 =	sadd.s32 s1, s30  }
0xba: {  	s0 =	sor.u32 s3, s0;
	s1 =	sshll.u32 s1, $0x11  }
0xbb: {  	s0 =	sor.u32 s1, s0  }
0xbc: {  	s0 =	sadd.s32 $0x8F2B, s0  }
0xbd: {  	[sflag:s0] =	ssyncadd.remote.s32 $0x1  }
0xbe: {  	_ =	sfence.sel $0xFFFF  }
0xbf: {  	[dreg:$0x0] =	wrdreg $0xFFFFFFFF;
	(pc) =	sbr.abs _section_cstart, $3  }
0xc0: {  	[dreg:$0x1] =	wrdreg $0xFFFFFFFF  }
0xc1: {  	_ =	task.clear_ibuf [dreg:s7], $0x2FFFF;
	_ =	strace $0x9FFFFFFF  }
0xc2: {  	(tm) =	ssettm $0x7FFFFFFF  }
0xc3: {  	_ =	shalt  }
tec
execute0_lowered:
.L_overlay_start_1:
0x0: {  	(tag) =	ssettag $0x1  }
0x1: {  	s0 =	rddreg [dreg:$0x0]  }
0x2: {  	s2 =	rddreg [dreg:$0x1]  }
0x3: {  	s1 =	srdreg.scid;
	s4 =	stileid.u32  }
0x4: {  	s3 =	simm.s32 $0x0;
	s29 =	simm.s32 $0x5;
	s17 =	simm.s32 $0x80  }
0x5: {  	s19 =	simm.s32 $0x9600;
	s28 =	simm.s32 $0x1A600;
	s30 =	simm.s32 $0x1C600  }
0x6: {  	s31 =	simm.s32 $0x1;
	s18 =	simm.s32 $0x15600;
	s20 =	simm.s32 $0x3  }
0x7: {  	s1 =	sand.u32 $0x1, s1;
	s4 =	sshll.u32 s4, $0x1;
	[smem:$0x7FF] =	sst s3  }
0x8: {  	s6 =	sadd.s32 $0x14000, s0;
	s7 =	sadd.s32 $0x75C00, s0;
	s4 =	sor.u32 s1, s4  }
0x9: {  	_ =	strace $0x80000047;
	s1 =	ssub.s32 $0x2, s1;
	s5 =	sshll.u32 s4, $0x2  }
0xa: {  	s4 =	smul.u32 $0xC8000, s4;
	s9 =	sshrl.u32 s1, $0x1;
	s8 =	sadd.s32 s5, s0  }
0xb: {  	s5 =	sadd.s32 $0xD7800, s0;
	s22 =	ssub.s32 s1, s9;
	s24 =	sadd.s32 $0x1400, s8  }
0xc: {  	s9 =	simm.s32 $0x0;
	s25 =	sadd.s32 $0x7800, s8;
	[dreg:$0x3] =	wrdreg s24  }
0xd: {  	s23 =	sshrl.u32 s4, $0x3;
	s8 =	sadd.s32 $0xDC00, s8;
	[dreg:$0x4] =	wrdreg s25  }
0xe: {  	s0 =	smax.u32 s22, $0x1;
	s22 =	simm.s32 $0x4;
	[dreg:$0x5] =	wrdreg s8  }
0xf: {  	v3 =	vlaneseq.u32;
	s1 =	sadd.s32 s2, s23;
	[dreg:$0x8] =	wrdreg s0;
	s24 =	simm.s32 $0x20  }
0x10: {  	v0 =	vmul.u32 $0x20, v3;
	s23 =	simm.s32 $0x1B600;
	s25 =	simm.s32 $0xD600;
	s26 =	sadd.s32 $0x18000, s1  }
0x11: {  	s0 =	simm.s32 $0x11600;
	s1 =	sadd.s32 $0x18800, s1;
	[dreg:$0x6] =	wrdreg s26  }
0x12: {  	v2 =	vimm.s32 $0x0;
	v3 =	vmul.u32 $0x80, v3;
	v1 =	vadd.s32 $0x1700, v0;
	[dreg:$0x7] =	wrdreg s1;
	s26 =	simm.s32 $0x400;
	s1 =	simm.s32 $0x2  }
.LBB2_1:
0x13: {  	[dreg:$0x9] =	wrdreg s9  }
0x14: {  	s8 =	rddreg [dreg:$0x3]  }
0x15: {  	[tilespmem:s3], [sflag:$0x5] =	stream.strided.gather [hbm4b:s8+s24], $0x1900, s26, s24, $0x38;
	[tilespmem:$0x1D600] =	vst v63  }
0x16: {  	_ =	swait.ge [sflag:s29], $0x1900  }
0x17: {  	[sflag:s29] =	ssyncset.done $0x0  }
0x18: {  	s9 =	simm.s32 $0x0;
	s8 =	simm.s32 $0x1920;
	[sflag:s29] =	ssyncadd.s32 $0xFFFFE700  }
.LBB2_2:
0x19: {  	v4 =	vmov s9;
	s10 =	simm.s32 $0x10  }
0x1a: {  	s11 =	simm.s32 $0x0;
	s12 =	simm.s32 $0x30;
	v5 =	vand.u32 $0x1F, v4;
	v6 =	vmov s10  }
0x1b: {  	s16 =	simm.s32 $0x20;
	v7 =	vmov s11;
	v8 =	vmov s12;
	v6 =	vshll.u32 v6, $0x5  }
0x1c: {  	v9 =	vmov s16;
	v8 =	vshll.u32 v8, $0x5;
	v6 =	vor.u32 v0, v6  }
0x1d: {  	v7 =	vshll.u32 v7, $0x5;
	v8 =	vor.u32 v0, v8;
	v6 =	vor.u32 v5, v6  }
0x1e: {  	v9 =	vshll.u32 v9, $0x5;
	v7 =	vor.u32 v0, v7;
	v8 =	vor.u32 v5, v8  }
0x1f: {  	v9 =	vor.u32 v0, v9;
	v7 =	vor.u32 v5, v7  }
0x20: {  	v10 =	vor.u32 v5, v9;
	_ =	sdelay $0x1  }
0x21: {  	v9 =	vld.idx.msk [tilespmem:v6+s3+$0x0], $0xffff  }
0x22: {  	s21 =	smul.u32 $0x320, s9;
	v8 =	vld.idx.msk [tilespmem:v8+s3+$0x0], $0xffff  }
0x23: {  	s13 =	smov.u32 s8;
	v7 =	vld.idx.msk [tilespmem:v7+s3+$0x0], $0xffff  }
0x24: {  	s12 =	simm.s32 $0x40;
	s11 =	smov.u32 s8;
	s10 =	sshra.s32 s21, $0x2;
	v6 =	vld.idx.msk [tilespmem:v10+s3+$0x0], $0xffff  }
.LBB2_3:
0x25: {  	p0 =	slt.u32 s12, $0x80  }
0x26: {  	s13 =	sadd.s32 $0x40, s13;
	s14 =	smov.u32 s12;
	s12 =	sadd.s32 $0x40, s12;
	[tilespmem:s11+$0xFFFFFFF0] =	vst v9  }
0x27: {  	v9 =	vmov s14;
	s15 =	sadd.s32 $0x10, s14;
	s16 =	sadd.s32 $0x20, s14;
	s14 =	sadd.s32 $0x30, s14;
	[tilespmem:s11+$0x10] =	vst v8  }
0x28: {  	v8 =	vmov s15;
	v10 =	vmov s16;
	v11 =	vmov s14;
	[tilespmem:s11+$0xFFFFFFE0] =	vst v7  }
0x29: {  	v7 =	vshll.u32 v8, $0x5;
	v8 =	vshll.u32 v10, $0x5;
	v10 =	vshll.u32 v11, $0x5;
	[tilespmem:s11+$0x0] =	vst v6;
	s11 =	smov.u32 s13  }
0x2a: {  	v6 =	vor.u32 v0, v7;
	v7 =	vor.u32 v0, v8;
	v8 =	vor.u32 v0, v10  }
0x2b: {  	v9 =	vshll.u32 v9, $0x5;
	v6 =	vor.u32 v5, v6;
	v10 =	vor.u32 v5, v7  }
0x2c: {  	v7 =	vor.u32 v0, v9;
	v8 =	vor.u32 v5, v8  }
0x2d: {  	v7 =	vor.u32 v5, v7;
	_ =	sdelay $0x1  }
.Ltmp0:
0x2e: {  	(pc) =	sbr.rel @p0 .LBB2_3-.Ltmp0, $4  }
0x2f: {  	v9 =	vld.idx.msk [tilespmem:v6+s3+$0x0], $0xffff  }
0x30: {  	v8 =	vld.idx.msk [tilespmem:v8+s3+$0x0], $0xffff  }
0x31: {  	v7 =	vld.idx.msk [tilespmem:v7+s3+$0x0], $0xffff  }
0x32: {  	v6 =	vld.idx.msk [tilespmem:v10+s3+$0x0], $0xffff  }
0x33: {  	v4 =	vor.u32 v1, v4  }
0x34: {  	[tilespmem:s11+$0xFFFFFFF0] =	vst v9  }
0x35: {  	[tilespmem:s11+$0x10] =	vst v8  }
0x36: {  	[tilespmem:s11+$0xFFFFFFE0] =	vst v7  }
0x37: {  	s9 =	sadd.s32 $0x1, s9;
	[tilespmem:s11+$0x0] =	vst v6  }
0x38: {  	p0 =	sne.s32 s9, $0x20;
	v4 =	vld.idx.msk [tilespmem:v4+s3+$0x0], $0xffff  }
.Ltmp1:
0x39: {  	_ = 	snop;
	(pc) =	sbr.rel @p0 .LBB2_2-.Ltmp1, $2  }
0x3a: {  	_ =	sdelay $0x2  }
0x3b: {  	s8 =	sadd.s32 $0xC8, s8;
	[tilespmem:s10+$0x19B8] =	vst v4  }
0x3c: {  	s8 =	simm.s32 $0x0;
	s9 =	rddreg [dreg:$0x4]  }
0x3d: {  	[tilespmem:s8], [sflag:$0x5] =	stream.strided.gather [hbm4b:s9+s24], $0x1900, s26, s24, $0x38;
	[tilespmem:$0x1D600] =	vst v63  }
0x3e: {  	_ =	swait.ge [sflag:s29], $0x1900  }
0x3f: {  	[sflag:s29] =	ssyncset.done $0x0  }
0x40: {  	s10 =	simm.s32 $0x0;
	s9 =	simm.s32 $0x6420;
	[sflag:s29] =	ssyncadd.s32 $0xFFFFE700  }
.LBB2_6:
0x41: {  	s11 =	simm.s32 $0x10  }
0x42: {  	v4 =	vmov s10;
	s12 =	simm.s32 $0x30;
	v7 =	vmov s8;
	v6 =	vmov s11  }
0x43: {  	s16 =	simm.s32 $0x20;
	v5 =	vand.u32 $0x1F, v4;
	v8 =	vmov s12;
	v6 =	vshll.u32 v6, $0x5  }
0x44: {  	v9 =	vmov s16;
	v8 =	vshll.u32 v8, $0x5;
	v6 =	vor.u32 v0, v6  }
0x45: {  	v7 =	vshll.u32 v7, $0x5;
	v8 =	vor.u32 v0, v8;
	v6 =	vor.u32 v5, v6  }
0x46: {  	v9 =	vshll.u32 v9, $0x5;
	v7 =	vor.u32 v0, v7;
	v8 =	vor.u32 v5, v8  }
0x47: {  	v9 =	vor.u32 v0, v9;
	v7 =	vor.u32 v5, v7  }
0x48: {  	v10 =	vor.u32 v5, v9;
	_ =	sdelay $0x1  }
0x49: {  	v9 =	vld.idx.msk [tilespmem:v6+s3+$0x0], $0xffff  }
0x4a: {  	s21 =	smul.u32 $0x320, s10;
	v8 =	vld.idx.msk [tilespmem:v8+s3+$0x0], $0xffff  }
0x4b: {  	s13 =	simm.s32 $0x40;
	v7 =	vld.idx.msk [tilespmem:v7+s3+$0x0], $0xffff  }
0x4c: {  	s14 =	smov.u32 s9;
	s12 =	smov.u32 s9;
	s11 =	sshra.s32 s21, $0x2;
	v6 =	vld.idx.msk [tilespmem:v10+s3+$0x0], $0xffff  }
.LBB2_7:
0x4d: {  	p0 =	slt.u32 s13, $0x80  }
0x4e: {  	s14 =	sadd.s32 $0x40, s14;
	s15 =	smov.u32 s13;
	s13 =	sadd.s32 $0x40, s13;
	[tilespmem:s12+$0xFFFFFFF0] =	vst v9  }
0x4f: {  	v9 =	vmov s15;
	s16 =	sadd.s32 $0x10, s15;
	s21 =	sadd.s32 $0x20, s15;
	s15 =	sadd.s32 $0x30, s15;
	[tilespmem:s12+$0x10] =	vst v8  }
0x50: {  	v8 =	vmov s16;
	v10 =	vmov s21;
	v11 =	vmov s15;
	[tilespmem:s12+$0xFFFFFFE0] =	vst v7  }
0x51: {  	v7 =	vshll.u32 v8, $0x5;
	v8 =	vshll.u32 v10, $0x5;
	v10 =	vshll.u32 v11, $0x5;
	[tilespmem:s12+$0x0] =	vst v6;
	s12 =	smov.u32 s14  }
0x52: {  	v6 =	vor.u32 v0, v7;
	v7 =	vor.u32 v0, v8;
	v8 =	vor.u32 v0, v10  }
0x53: {  	v9 =	vshll.u32 v9, $0x5;
	v6 =	vor.u32 v5, v6;
	v10 =	vor.u32 v5, v7  }
0x54: {  	v7 =	vor.u32 v0, v9;
	v8 =	vor.u32 v5, v8  }
0x55: {  	v7 =	vor.u32 v5, v7;
	_ =	sdelay $0x1  }
.Ltmp2:
0x56: {  	(pc) =	sbr.rel @p0 .LBB2_7-.Ltmp2, $4  }
0x57: {  	v9 =	vld.idx.msk [tilespmem:v6+s3+$0x0], $0xffff  }
0x58: {  	v8 =	vld.idx.msk [tilespmem:v8+s3+$0x0], $0xffff  }
0x59: {  	v7 =	vld.idx.msk [tilespmem:v7+s3+$0x0], $0xffff  }
0x5a: {  	v6 =	vld.idx.msk [tilespmem:v10+s3+$0x0], $0xffff  }
0x5b: {  	v4 =	vor.u32 v1, v4  }
0x5c: {  	[tilespmem:s12+$0xFFFFFFF0] =	vst v9  }
0x5d: {  	[tilespmem:s12+$0x10] =	vst v8  }
0x5e: {  	[tilespmem:s12+$0xFFFFFFE0] =	vst v7  }
0x5f: {  	s10 =	sadd.s32 $0x1, s10;
	[tilespmem:s12+$0x0] =	vst v6  }
0x60: {  	p0 =	sne.s32 s10, $0x20;
	v4 =	vld.idx.msk [tilespmem:v4+s3+$0x0], $0xffff  }
.Ltmp3:
0x61: {  	_ = 	snop;
	(pc) =	sbr.rel @p0 .LBB2_6-.Ltmp3, $2  }
0x62: {  	_ =	sdelay $0x2  }
0x63: {  	s9 =	sadd.s32 $0xC8, s9;
	[tilespmem:s11+$0x64B8] =	vst v4  }
0x64: {  	s8 =	simm.s32 $0x0;
	s9 =	rddreg [dreg:$0x5]  }
0x65: {  	[tilespmem:s8], [sflag:$0x5] =	stream.strided.gather [hbm4b:s9+s24], $0x1900, s26, s24, $0x38;
	[tilespmem:$0x1D600] =	vst v63  }
0x66: {  	_ =	swait.ge [sflag:s29], $0x1900  }
0x67: {  	[sflag:s29] =	ssyncset.done $0x0  }
0x68: {  	s10 =	simm.s32 $0x0;
	s9 =	simm.s32 $0x7D20;
	[sflag:s29] =	ssyncadd.s32 $0xFFFFE700  }
.LBB2_10:
0x69: {  	s11 =	simm.s32 $0x10  }
0x6a: {  	v4 =	vmov s10;
	s12 =	simm.s32 $0x30;
	v7 =	vmov s8;
	v6 =	vmov s11  }
0x6b: {  	s26 =	simm.s32 $0x20;
	v5 =	vand.u32 $0x1F, v4;
	v8 =	vmov s12;
	v6 =	vshll.u32 v6, $0x5  }
0x6c: {  	v9 =	vmov s26;
	v8 =	vshll.u32 v8, $0x5;
	v6 =	vor.u32 v0, v6  }
0x6d: {  	v7 =	vshll.u32 v7, $0x5;
	v8 =	vor.u32 v0, v8;
	v6 =	vor.u32 v5, v6  }
0x6e: {  	v9 =	vshll.u32 v9, $0x5;
	v7 =	vor.u32 v0, v7;
	v8 =	vor.u32 v5, v8  }
0x6f: {  	v9 =	vor.u32 v0, v9;
	v7 =	vor.u32 v5, v7  }
0x70: {  	v10 =	vor.u32 v5, v9;
	_ =	sdelay $0x1  }
0x71: {  	v9 =	vld.idx.msk [tilespmem:v6+s3+$0x0], $0xffff  }
0x72: {  	s29 =	smul.u32 $0x320, s10;
	v8 =	vld.idx.msk [tilespmem:v8+s3+$0x0], $0xffff  }
0x73: {  	s13 =	simm.s32 $0x40;
	v7 =	vld.idx.msk [tilespmem:v7+s3+$0x0], $0xffff  }
0x74: {  	s14 =	smov.u32 s9;
	s12 =	smov.u32 s9;
	s11 =	sshra.s32 s29, $0x2;
	v6 =	vld.idx.msk [tilespmem:v10+s3+$0x0], $0xffff  }
.LBB2_11:
0x75: {  	p0 =	slt.u32 s13, $0x80  }
0x76: {  	s14 =	sadd.s32 $0x40, s14;
	s15 =	smov.u32 s13;
	s13 =	sadd.s32 $0x40, s13;
	[tilespmem:s12+$0xFFFFFFF0] =	vst v9  }
0x77: {  	v9 =	vmov s15;
	s16 =	sadd.s32 $0x10, s15;
	s21 =	sadd.s32 $0x20, s15;
	s15 =	sadd.s32 $0x30, s15;
	[tilespmem:s12+$0x10] =	vst v8  }
0x78: {  	v8 =	vmov s16;
	v10 =	vmov s21;
	v11 =	vmov s15;
	[tilespmem:s12+$0xFFFFFFE0] =	vst v7  }
0x79: {  	v7 =	vshll.u32 v8, $0x5;
	v8 =	vshll.u32 v10, $0x5;
	v10 =	vshll.u32 v11, $0x5;
	[tilespmem:s12+$0x0] =	vst v6;
	s12 =	smov.u32 s14  }
0x7a: {  	v6 =	vor.u32 v0, v7;
	v7 =	vor.u32 v0, v8;
	v8 =	vor.u32 v0, v10  }
0x7b: {  	v9 =	vshll.u32 v9, $0x5;
	v6 =	vor.u32 v5, v6;
	v10 =	vor.u32 v5, v7  }
0x7c: {  	v7 =	vor.u32 v0, v9;
	v8 =	vor.u32 v5, v8  }
0x7d: {  	v7 =	vor.u32 v5, v7;
	_ =	sdelay $0x1  }
.Ltmp4:
0x7e: {  	(pc) =	sbr.rel @p0 .LBB2_11-.Ltmp4, $4  }
0x7f: {  	v9 =	vld.idx.msk [tilespmem:v6+s3+$0x0], $0xffff  }
0x80: {  	v8 =	vld.idx.msk [tilespmem:v8+s3+$0x0], $0xffff  }
0x81: {  	v7 =	vld.idx.msk [tilespmem:v7+s3+$0x0], $0xffff  }
0x82: {  	v6 =	vld.idx.msk [tilespmem:v10+s3+$0x0], $0xffff  }
0x83: {  	v4 =	vor.u32 v1, v4  }
0x84: {  	[tilespmem:s12+$0xFFFFFFF0] =	vst v9  }
0x85: {  	[tilespmem:s12+$0x10] =	vst v8  }
0x86: {  	[tilespmem:s12+$0xFFFFFFE0] =	vst v7  }
0x87: {  	s29 =	simm.s32 $0x0;
	s10 =	sadd.s32 $0x1, s10;
	[tilespmem:s12+$0x0] =	vst v6  }
0x88: {  	p0 =	sne.s32 s10, $0x20;
	v4 =	vld.idx.msk [tilespmem:v4+s29+$0x0], $0xffff  }
.Ltmp5:
0x89: {  	_ = 	snop;
	(pc) =	sbr.rel @p0 .LBB2_10-.Ltmp5, $2  }
0x8a: {  	_ =	sdelay $0x2  }
0x8b: {  	s9 =	sadd.s32 $0xC8, s9;
	[tilespmem:s11+$0x7DB8] =	vst v4  }
0x8c: {  	s8 =	simm.s32 $0x0  }
0x8d: {  	v4 =	vld [tilespmem:s8+$0x1900]  }
0x8e: {  	s9 =	simm.s32 $0x40  }
.LBB2_14:
0x8f: {  	_ = 	snop  }
0x90: {  	p0 =	sne.s32 s9, $0x63C0  }
.Ltmp6:
0x91: {  	_ = 	snop;
	(pc) =	sbr.rel @p0 .LBB2_14-.Ltmp6, $4  }
0x92: {  	vm0 =	vgt.s32 v4, $0x7CFFF  }
0x93: {  	s10 =	sshra.s32 s9, $0x2;
	v5 =	vadd.s32 $0xFFF83000, v4;
	v6 =	vsel vm0, $0x40, v2  }
0x94: {  	v5 =	vsel vm0, v5, v4;
	v4 =	vld [tilespmem:s10+$0x1900];
	[tilespmem:s8+$0x4B00] =	vst v6  }
0x95: {  	s9 =	sadd.s32 $0x40, s9;
	[tilespmem:s8+$0x3200] =	vst v5;
	s8 =	smov.u32 s10  }
0x96: {  	_ =	sdelay $0x2  }
0x97: {  	vm0 =	vgt.s32 v4, $0x7CFFF  }
0x98: {  	v5 =	vadd.s32 $0xFFF83000, v4;
	v6 =	vsel vm0, $0x40, v2  }
0x99: {  	v4 =	vsel vm0, v5, v4;
	[tilespmem:s8+$0x4B00] =	vst v6  }
0x9a: {  	s15 =	simm.s32 $0x3200;
	[tilespmem:s8+$0x3200] =	vst v4  }
0x9b: {  	[tilespmem:s19], [sflag:$0x1] =	stream.indirect.gather [hbm4b:s5+s17], $0x80, s15, s17, $0xb8;
	[tilespmem:$0x1D600] =	vst v63  }
0x9c: {  	s16 =	simm.s32 $0x6400;
	s9 =	simm.s32 $0x19600  }
0x9d: {  	[tilespmem:s9], [sflag:$0x1] =	stream.indirect.gather [hbm4b:s6+s17], $0x20, s16, s17, $0xb8;
	[tilespmem:$0x1D600] =	vst v63  }
0x9e: {  	s21 =	simm.s32 $0x7D00  }
0x9f: {  	[tilespmem:s23], [sflag:$0x1] =	stream.indirect.gather [hbm4b:s7+s17], $0x20, s21, s17, $0xb8;
	[tilespmem:$0x1D600] =	vst v63  }
0xa0: {  	s24 =	simm.s32 $0x3280  }
0xa1: {  	[tilespmem:s25], [sflag:$0x2] =	stream.indirect.gather [hbm4b:s5+s17], $0x80, s24, s17, $0xb8;
	[tilespmem:$0x1D600] =	vst v63  }
0xa2: {  	s26 =	simm.s32 $0x6480  }
0xa3: {  	[tilespmem:s28], [sflag:$0x2] =	stream.indirect.gather [hbm4b:s6+s17], $0x20, s26, s17, $0xb8;
	[tilespmem:$0x1D600] =	vst v63  }
0xa4: {  	s29 =	simm.s32 $0x7D80;
	s26 =	simm.s32 $0x0  }
0xa5: {  	[tilespmem:s30], [sflag:$0x2] =	stream.indirect.gather [hbm4b:s7+s17], $0x20, s29, s17, $0xb8;
	[tilespmem:$0x1D600] =	vst v63  }
.LBB2_16:
0xa6: {  	_ =	swait.ge [sflag:s31], $0x4000  }
0xa7: {  	[sflag:s31] =	ssyncset.done $0x0  }
0xa8: {  	[sflag:s31] =	ssyncadd.s32 $0xFFFFC000  }
0xa9: {  	_ =	swait.ge [sflag:s31], $0x1000  }
0xaa: {  	[sflag:s31] =	ssyncset.done $0x0  }
0xab: {  	s29 =	sshll.u32 s26, $0x8;
	[sflag:s31] =	ssyncadd.s32 $0xFFFFF000  }
0xac: {  	s8 =	sand.u32 $0x3FFFFF00, s29;
	_ =	swait.ge [sflag:s31], $0x1000  }
0xad: {  	s8 =	sadd.s32 $0x4B00, s8;
	[sflag:s31] =	ssyncset.done $0x0  }
0xae: {  	v4 =	vmov s8;
	s8 =	simm.s32 $0x0;
	[sflag:s31] =	ssyncadd.s32 $0xFFFFF000  }
.LBB2_17:
0xaf: {  	_ =	sdelay $0x2  }
0xb0: {  	s9 =	sshll.u32 s8, $0x4  }
0xb1: {  	v7 =	vld.idx.msk [tilespmem:v4+s9+$0x0 ss:$0x1], $0xffff;
	_ =	sdelay $0x2  }
0xb2: {  	v5 =	vmov s9  }
0xb3: {  	v5 =	vshll.u32 v5, $0x7  }
0xb4: {  	s13 =	simm.s32 $0x3;
	s9 =	simm.s32 $0x7;
	v5 =	vor.u32 v3, v5;
	v6 =	vand.u32 $0x7, v7  }
0xb5: {  	s10 =	simm.s32 $0x0;
	v9 =	vadd.s32 s9, v7;
	v17 =	vadd.s32 s13, v7;
	v8 =	vor.u32 v6, v5  }
0xb6: {  	v6 =	vadd.s32 s10, v7;
	v11 =	vand.u32 $0xFFFFFFF8, v9;
	v12 =	vand.u32 $0x7, v9  }
0xb7: {  	v18 =	vand.u32 $0xFFFFFFF8, v17;
	v10 =	vand.u32 $0xFFFFFFF8, v6;
	v6 =	vor.u32 s10, v5;
	s10 =	simm.s32 $0x6  }
0xb8: {  	s11 =	simm.s32 $0x5;
	v11 =	vadd.s32 v5, v11;
	v13 =	vadd.s32 s10, v7;
	v9 =	vadd.s32 v8, v10  }
0xb9: {  	s12 =	simm.s32 $0x4;
	v10 =	vor.u32 v12, v11;
	v12 =	vadd.s32 s11, v7;
	v14 =	vand.u32 $0xFFFFFFF8, v13  }
0xba: {  	v11 =	vand.u32 $0x7, v13;
	v13 =	vadd.s32 v5, v14;
	v14 =	vadd.s32 s12, v7  }
0xbb: {  	v15 =	vand.u32 $0xFFFFFFF8, v12;
	v11 =	vor.u32 v11, v13;
	v13 =	vand.u32 $0xFFFFFFF8, v14  }
0xbc: {  	s14 =	simm.s32 $0x2;
	v16 =	vand.u32 $0x7, v12;
	v12 =	vand.u32 $0x7, v14;
	v13 =	vadd.s32 v5, v13  }
0xbd: {  	v15 =	vadd.s32 v5, v15;
	v14 =	vadd.s32 s14, v7;
	v12 =	vor.u32 v12, v13  }
0xbe: {  	s15 =	simm.s32 $0x1;
	s16 =	simm.s32 $0x8;
	v13 =	vor.u32 v16, v15;
	v15 =	vand.u32 $0x7, v17;
	v16 =	vadd.s32 v5, v18  }
.LBB2_18:
0xbf: {  	p0 =	slt.u32 s16, $0x38;
	v17 =	vadd.s32 s15, v7;
	v18 =	vand.u32 $0xFFFFFFF8, v14;
	v15 =	vor.u32 v15, v16  }
0xc0: {  	v14 =	vand.u32 $0x7, v14;
	v16 =	vld.idx.msk [tilespmem:v9+s19+$0x0], $0xffff;
	v9 =	vand.u32 $0xFFFFFFF8, v17;
	v18 =	vadd.s32 v5, v18  }
0xc1: {  	v17 =	vand.u32 $0x7, v17;
	v9 =	vadd.s32 v5, v9;
	v14 =	vor.u32 v14, v18;
	v10 =	vld.idx.msk [tilespmem:v10+s19+$0x0], $0xffff  }
0xc2: {  	v18 =	vor.u32 s9, v5;
	v17 =	vor.u32 v17, v9;
	v11 =	vld.idx.msk [tilespmem:v11+s19+$0x0], $0xffff  }
0xc3: {  	v19 =	vor.u32 s10, v5;
	v9 =	vadd.s32 s16, v7;
	v13 =	vld.idx.msk [tilespmem:v13+s19+$0x0], $0xffff  }
0xc4: {  	v20 =	vor.u32 s16, v5;
	v21 =	vor.u32 s11, v5;
	s9 =	sadd.s32 $0x7, s16;
	v9 =	vand.u32 $0xFFFFFFF8, v9;
	v12 =	vld.idx.msk [tilespmem:v12+s19+$0x0], $0xffff  }
0xc5: {  	v23 =	vor.u32 s12, v5;
	v22 =	vadd.s32 s9, v7;
	v9 =	vadd.s32 v8, v9;
	v15 =	vld.idx.msk [tilespmem:v15+s19+$0x0], $0xffff  }
0xc6: {  	s10 =	sadd.s32 $0x6, s16;
	v24 =	vand.u32 $0xFFFFFFF8, v22;
	v22 =	vand.u32 $0x7, v22;
	[tilespmem:v6+s0+$0x0] =	vst.idx.msk $0xffff, v16;
	v14 =	vld.idx.msk [tilespmem:v14+s19+$0x0], $0xffff;
	v16 =	vor.u32 s13, v5;
	v6 =	vmovc v20  }
0xc7: {  	v25 =	vor.u32 s14, v5;
	v24 =	vadd.s32 v5, v24;
	v20 =	vadd.s32 s10, v7;
	v17 =	vld.idx.msk [tilespmem:v17+s19+$0x0], $0xffff;
	[tilespmem:v18+s0+$0x0] =	vst.idx.msk $0xffff, v10  }
0xc8: {  	s11 =	sadd.s32 $0x5, s16;
	v18 =	vand.u32 $0xFFFFFFF8, v20;
	v10 =	vor.u32 v22, v24;
	v22 =	vor.u32 s15, v5;
	[tilespmem:v19+s0+$0x0] =	vst.idx.msk $0xffff, v11  }
0xc9: {  	s12 =	sadd.s32 $0x4, s16;
	v19 =	vadd.s32 s11, v7;
	v11 =	vand.u32 $0x7, v20;
	v18 =	vadd.s32 v5, v18;
	[tilespmem:v21+s0+$0x0] =	vst.idx.msk $0xffff, v13  }
.Ltmp7:
0xca: {  	v13 =	vadd.s32 s12, v7;
	v20 =	vand.u32 $0xFFFFFFF8, v19;
	v11 =	vor.u32 v11, v18;
	[tilespmem:v23+s0+$0x0] =	vst.idx.msk $0xffff, v12;
	(pc) =	sbr.rel @p0 .LBB2_18-.Ltmp7, $4  }
0xcb: {  	s13 =	sadd.s32 $0x3, s16;
	v18 =	vand.u32 $0x7, v19;
	v12 =	vand.u32 $0xFFFFFFF8, v13;
	v19 =	vadd.s32 v5, v20;
	[tilespmem:v16+s0+$0x0] =	vst.idx.msk $0xffff, v15  }
0xcc: {  	v13 =	vand.u32 $0x7, v13;
	v15 =	vadd.s32 s13, v7;
	v12 =	vadd.s32 v5, v12;
	[tilespmem:v25+s0+$0x0] =	vst.idx.msk $0xffff, v14  }
0xcd: {  	s14 =	sadd.s32 $0x2, s16;
	v16 =	vand.u32 $0xFFFFFFF8, v15;
	v12 =	vor.u32 v13, v12;
	v13 =	vor.u32 v18, v19;
	[tilespmem:v22+s0+$0x0] =	vst.idx.msk $0xffff, v17  }
0xce: {  	s15 =	sadd.s32 $0x1, s16;
	s16 =	sadd.s32 $0x8, s16;
	v14 =	vadd.s32 s14, v7;
	v15 =	vand.u32 $0x7, v15;
	v16 =	vadd.s32 v5, v16  }
0xcf: {  	_ =	sdelay $0x1  }
0xd0: {  	v7 =	vadd.s32 s15, v7  }
0xd1: {  	v8 =	vand.u32 $0xFFFFFFF8, v14;
	v15 =	vor.u32 v15, v16;
	v60 =	vand.u32 $0x7, v14  }
0xd2: {  	v9 =	vld.idx.msk [tilespmem:v9+s19+$0x0], $0xffff;
	v61 =	vor.u32 s9, v5;
	v59 =	vand.u32 $0xFFFFFFF8, v7;
	v8 =	vadd.s32 v5, v8  }
0xd3: {  	v10 =	vld.idx.msk [tilespmem:v10+s19+$0x0], $0xffff;
	v7 =	vand.u32 $0x7, v7;
	v16 =	vadd.s32 v5, v59;
	v8 =	vor.u32 v60, v8  }
0xd4: {  	v11 =	vld.idx.msk [tilespmem:v11+s19+$0x0], $0xffff;
	v62 =	vor.u32 s10, v5;
	v7 =	vor.u32 v7, v16  }
0xd5: {  	v13 =	vld.idx.msk [tilespmem:v13+s19+$0x0], $0xffff;
	v17 =	vor.u32 s11, v5  }
0xd6: {  	v12 =	vld.idx.msk [tilespmem:v12+s19+$0x0], $0xffff;
	v18 =	vor.u32 s12, v5  }
0xd7: {  	v15 =	vld.idx.msk [tilespmem:v15+s19+$0x0], $0xffff;
	[tilespmem:v6+s0+$0x0] =	vst.idx.msk $0xffff, v9;
	v6 =	vor.u32 s13, v5  }
0xd8: {  	v63 =	vor.u32 s14, v5;
	s8 =	sadd.s32 $0x1, s8;
	[tilespmem:v61+s0+$0x0] =	vst.idx.msk $0xffff, v10;
	v8 =	vld.idx.msk [tilespmem:v8+s19+$0x0], $0xffff  }
0xd9: {  	p0 =	sne.s32 s8, $0x8;
	v5 =	vor.u32 s15, v5;
	[tilespmem:v62+s0+$0x0] =	vst.idx.msk $0xffff, v11;
	v7 =	vld.idx.msk [tilespmem:v7+s19+$0x0], $0xffff  }
.Ltmp8:
0xda: {  	[tilespmem:v17+s0+$0x0] =	vst.idx.msk $0xffff, v13;
	(pc) =	sbr.rel @p0 .LBB2_17-.Ltmp8, $4  }
0xdb: {  	[tilespmem:v18+s0+$0x0] =	vst.idx.msk $0xffff, v12  }
0xdc: {  	[tilespmem:v6+s0+$0x0] =	vst.idx.msk $0xffff, v15  }
0xdd: {  	[tilespmem:v63+s0+$0x0] =	vst.idx.msk $0xffff, v8  }
0xde: {  	[tilespmem:v5+s0+$0x0] =	vst.idx.msk $0xffff, v7  }
0xdf: {  	s10 =	simm.s32 $0x19680  }
0xe0: {  	v4 =	vld [tilespmem:s10+$0x60]  }
0xe1: {  	v5 =	vld [tilespmem:s10+$0xFFFFFFA0]  }
0xe2: {  	v6 =	vld [tilespmem:s10+$0xFFFFFFC0]  }
0xe3: {  	v7 =	vld [tilespmem:s10+$0xFFFFFFE0]  }
0xe4: {  	s8 =	simm.s32 $0x11840;
	v8 =	vld [tilespmem:s10+$0x0]  }
0xe5: {  	v9 =	vld [tilespmem:s10+$0x20];
	[tilespmem:s8+$0x180] =	vst v4  }
0xe6: {  	[tilespmem:s8+$0xFFFFFE80] =	vst v5;
	v5 =	vld [tilespmem:s10+$0x40]  }
0xe7: {  	s9 =	simm.s32 $0x1B680;
	[tilespmem:s8+$0xFFFFFF00] =	vst v6;
	v6 =	vld [tilespmem:s10+$0xFFFFFF80]  }
0xe8: {  	[tilespmem:s8+$0xFFFFFF80] =	vst v7;
	v4 =	vld [tilespmem:s9+$0x60]  }
0xe9: {  	[tilespmem:s8+$0x0] =	vst v8;
	v7 =	vld [tilespmem:s9+$0xFFFFFFA0]  }
0xea: {  	[tilespmem:s8+$0x80] =	vst v9;
	v8 =	vld [tilespmem:s9+$0xFFFFFFC0]  }
0xeb: {  	v9 =	vld [tilespmem:s9+$0xFFFFFFE0];
	[tilespmem:s8+$0x100] =	vst v5  }
0xec: {  	[tilespmem:s8+$0xFFFFFE00] =	vst v6;
	v5 =	vld [tilespmem:s9+$0x0]  }
0xed: {  	[tilespmem:s8+$0x1A0] =	vst v4;
	v6 =	vld [tilespmem:s9+$0xFFFFFF80]  }
0xee: {  	[tilespmem:s8+$0xFFFFFEA0] =	vst v7;
	v7 =	vld [tilespmem:s9+$0x20]  }
0xef: {  	[tilespmem:s8+$0xFFFFFF20] =	vst v8;
	v8 =	vld [tilespmem:s9+$0x40]  }
0xf0: {  	[tilespmem:s8+$0xFFFFFFA0] =	vst v9;
	v4 =	vld [tilespmem:s10+$0x70]  }
0xf1: {  	v9 =	vld [tilespmem:s10+$0xFFFFFFB0];
	[tilespmem:s8+$0x20] =	vst v5  }
0xf2: {  	v5 =	vld [tilespmem:s10+$0xFFFFFFD0];
	[tilespmem:s8+$0xFFFFFE20] =	vst v6  }
0xf3: {  	[tilespmem:s8+$0xA0] =	vst v7;
	v7 =	vld [tilespmem:s10+$0xFFFFFFF0]  }
0xf4: {  	[tilespmem:s8+$0x120] =	vst v8;
	v6 =	vld [tilespmem:s10+$0xFFFFFF90]  }
0xf5: {  	v8 =	vld [tilespmem:s10+$0x10];
	[tilespmem:s8+$0x190] =	vst v4  }
0xf6: {  	[tilespmem:s8+$0xFFFFFE90] =	vst v9;
	v4 =	vld [tilespmem:s9+$0x70]  }
0xf7: {  	v9 =	vld [tilespmem:s10+$0x30];
	[tilespmem:s8+$0xFFFFFF10] =	vst v5  }
0xf8: {  	v10 =	vld [tilespmem:s10+$0x50];
	[tilespmem:s8+$0xFFFFFF90] =	vst v7  }
0xf9: {  	v11 =	vld [tilespmem:s9+$0xFFFFFFB0];
	[tilespmem:s8+$0xFFFFFE10] =	vst v6  }
0xfa: {  	[tilespmem:s8+$0x10] =	vst v8;
	v12 =	vld [tilespmem:s9+$0xFFFFFF90]  }
0xfb: {  	[tilespmem:s8+$0x1B0] =	vst v4;
	v4 =	vld [tilespmem:s9+$0xFFFFFFD0]  }
0xfc: {  	v5 =	vld [tilespmem:s9+$0xFFFFFFF0];
	[tilespmem:s8+$0x90] =	vst v9  }
0xfd: {  	v6 =	vld [tilespmem:s9+$0x10];
	[tilespmem:s8+$0x110] =	vst v10  }
0xfe: {  	[tilespmem:s8+$0xFFFFFEB0] =	vst v11;
	v7 =	vld [tilespmem:s9+$0x30]  }
0xff: {  	s11 =	simm.s32 $0x19780;
	s10 =	simm.s32 $0x0;
	v8 =	vld [tilespmem:s9+$0x50];
	[tilespmem:s8+$0xFFFFFE30] =	vst v12  }
.LBB2_21:
0x100: {  	v9 =	vld [tilespmem:s11+$0x60];
	s10 =	sadd.s32 $0x8, s10;
	[tilespmem:s8+$0xFFFFFF30] =	vst v4  }
0x101: {  	v4 =	vld [tilespmem:s11+$0xFFFFFFA0];
	p0 =	slt.u32 s10, $0x78;
	[tilespmem:s8+$0xFFFFFFB0] =	vst v5  }
0x102: {  	v5 =	vld [tilespmem:s11+$0xFFFFFFC0];
	[tilespmem:s8+$0x30] =	vst v6  }
0x103: {  	v6 =	vld [tilespmem:s11+$0xFFFFFFE0];
	[tilespmem:s8+$0xB0] =	vst v7  }
0x104: {  	v7 =	vld [tilespmem:s11+$0x0];
	[tilespmem:s8+$0x130] =	vst v8;
	s8 =	sadd.s32 $0x400, s8  }
0x105: {  	s9 =	sadd.s32 $0x100, s9;
	v8 =	vld [tilespmem:s11+$0x20];
	[tilespmem:s8+$0x180] =	vst v9  }
0x106: {  	[tilespmem:s8+$0xFFFFFE80] =	vst v4;
	v4 =	vld [tilespmem:s9+$0x60]  }
0x107: {  	[tilespmem:s8+$0xFFFFFF00] =	vst v5;
	v5 =	vld [tilespmem:s11+$0x40]  }
0x108: {  	v9 =	vld [tilespmem:s11+$0xFFFFFF80];
	[tilespmem:s8+$0xFFFFFF80] =	vst v6  }
0x109: {  	v6 =	vld [tilespmem:s9+$0xFFFFFFA0];
	[tilespmem:s8+$0x0] =	vst v7  }
0x10a: {  	v7 =	vld [tilespmem:s9+$0xFFFFFFC0];
	[tilespmem:s8+$0x80] =	vst v8  }
0x10b: {  	v8 =	vld [tilespmem:s9+$0xFFFFFFE0];
	[tilespmem:s8+$0x1A0] =	vst v4  }
0x10c: {  	[tilespmem:s8+$0x100] =	vst v5;
	v4 =	vld [tilespmem:s11+$0x70]  }
0x10d: {  	[tilespmem:s8+$0xFFFFFE00] =	vst v9;
	v5 =	vld [tilespmem:s9+$0x0]  }
0x10e: {  	v9 =	vld [tilespmem:s9+$0xFFFFFF80];
	[tilespmem:s8+$0xFFFFFEA0] =	vst v6  }
0x10f: {  	[tilespmem:s8+$0xFFFFFF20] =	vst v7;
	v6 =	vld [tilespmem:s9+$0x20]  }
0x110: {  	[tilespmem:s8+$0xFFFFFFA0] =	vst v8;
	v7 =	vld [tilespmem:s9+$0x40]  }
0x111: {  	v8 =	vld [tilespmem:s11+$0xFFFFFFB0];
	[tilespmem:s8+$0x190] =	vst v4  }
0x112: {  	[tilespmem:s8+$0x20] =	vst v5;
	v4 =	vld [tilespmem:s9+$0x70]  }
0x113: {  	[tilespmem:s8+$0xFFFFFE20] =	vst v9;
	v5 =	vld [tilespmem:s11+$0xFFFFFFD0]  }
0x114: {  	v9 =	vld [tilespmem:s11+$0xFFFFFF90];
	[tilespmem:s8+$0xA0] =	vst v6  }
0x115: {  	v6 =	vld [tilespmem:s11+$0xFFFFFFF0];
	[tilespmem:s8+$0x120] =	vst v7  }
0x116: {  	[tilespmem:s8+$0xFFFFFE90] =	vst v8;
	v7 =	vld [tilespmem:s11+$0x10]  }
0x117: {  	v8 =	vld [tilespmem:s11+$0x30];
	[tilespmem:s8+$0x1B0] =	vst v4  }
0x118: {  	[tilespmem:s8+$0xFFFFFF10] =	vst v5;
	v10 =	vld [tilespmem:s11+$0x50]  }
0x119: {  	[tilespmem:s8+$0xFFFFFE10] =	vst v9;
	v9 =	vld [tilespmem:s9+$0xFFFFFFB0]  }
0x11a: {  	v11 =	vld [tilespmem:s9+$0xFFFFFF90];
	[tilespmem:s8+$0xFFFFFF90] =	vst v6  }
.Ltmp9:
0x11b: {  	v4 =	vld [tilespmem:s9+$0xFFFFFFD0];
	[tilespmem:s8+$0x10] =	vst v7;
	(pc) =	sbr.rel @p0 .LBB2_21-.Ltmp9, $4  }
0x11c: {  	v5 =	vld [tilespmem:s9+$0xFFFFFFF0];
	[tilespmem:s8+$0x90] =	vst v8  }
0x11d: {  	v6 =	vld [tilespmem:s9+$0x10];
	[tilespmem:s8+$0x110] =	vst v10  }
0x11e: {  	[tilespmem:s8+$0xFFFFFEB0] =	vst v9;
	v7 =	vld [tilespmem:s9+$0x30]  }
0x11f: {  	s11 =	sadd.s32 $0x100, s11;
	[tilespmem:s8+$0xFFFFFE30] =	vst v11;
	v8 =	vld [tilespmem:s9+$0x50]  }
0x120: {  	[tilespmem:s8+$0xFFFFFF30] =	vst v4  }
0x121: {  	s9 =	sshll.u32 s26, $0xF;
	[tilespmem:s8+$0xFFFFFFB0] =	vst v5  }
0x122: {  	s9 =	sadd.s32 s4, s9;
	[tilespmem:s8+$0x30] =	vst v6  }
0x123: {  	s9 =	sshrl.u32 s9, $0x3;
	[tilespmem:s8+$0xB0] =	vst v7  }
0x124: {  	s24 =	sadd.s32 s2, s9;
	s9 =	simm.s32 $0x0;
	[tilespmem:s8+$0x130] =	vst v8  }
0x125: {  	[hbm4b:s24+s9] =	stream.linear.scatter [tilespmem:s0], [sflag:$0x3], $0x4000, $0x38;
	[tilespmem:$0x1D600] =	vst v63  }
0x126: {  	_ =	swait.ge [sflag:s1], $0x4000  }
0x127: {  	[sflag:s1] =	ssyncset.done $0x0  }
0x128: {  	[sflag:s1] =	ssyncadd.s32 $0xFFFFC000  }
0x129: {  	_ =	swait.ge [sflag:s1], $0x1000  }
0x12a: {  	s8 =	sshllo.u32 s26, $0x1;
	[sflag:s1] =	ssyncset.done $0x0  }
0x12b: {  	s10 =	sshll.u32 s8, $0x7;
	[sflag:s1] =	ssyncadd.s32 $0xFFFFF000  }
0x12c: {  	s10 =	sand.u32 $0x3FFFFF80, s10;
	_ =	swait.ge [sflag:s1], $0x1000  }
0x12d: {  	s10 =	sadd.s32 $0x4B00, s10;
	[sflag:s1] =	ssyncset.done $0x0  }
0x12e: {  	v4 =	vmov s10;
	s10 =	simm.s32 $0x0;
	[sflag:s1] =	ssyncadd.s32 $0xFFFFF000  }
.LBB2_23:
0x12f: {  	_ =	sdelay $0x2  }
0x130: {  	s11 =	sshll.u32 s10, $0x4  }
0x131: {  	v7 =	vld.idx.msk [tilespmem:v4+s11+$0x0 ss:$0x1], $0xffff;
	_ =	sdelay $0x2  }
0x132: {  	v5 =	vmov s11  }
0x133: {  	v5 =	vshll.u32 v5, $0x7  }
0x134: {  	s12 =	simm.s32 $0x6;
	s15 =	simm.s32 $0x3;
	s11 =	simm.s32 $0x7;
	v5 =	vor.u32 v3, v5;
	v6 =	vand.u32 $0x7, v7  }
0x135: {  	v9 =	vadd.s32 s11, v7;
	v13 =	vadd.s32 s12, v7;
	v17 =	vadd.s32 s15, v7  }
0x136: {  	v8 =	vor.u32 v6, v5;
	v6 =	vadd.s32 s9, v7;
	v11 =	vand.u32 $0xFFFFFFF8, v9  }
0x137: {  	v12 =	vand.u32 $0x7, v9;
	v14 =	vand.u32 $0xFFFFFFF8, v13;
	v18 =	vand.u32 $0xFFFFFFF8, v17  }
0x138: {  	s13 =	simm.s32 $0x5;
	v10 =	vand.u32 $0xFFFFFFF8, v6;
	v6 =	vor.u32 s9, v5;
	v11 =	vadd.s32 v5, v11  }
0x139: {  	s14 =	simm.s32 $0x4;
	v9 =	vadd.s32 v8, v10;
	v10 =	vor.u32 v12, v11;
	v12 =	vadd.s32 s13, v7  }
0x13a: {  	v11 =	vand.u32 $0x7, v13;
	v13 =	vadd.s32 v5, v14;
	v14 =	vadd.s32 s14, v7  }
0x13b: {  	v15 =	vand.u32 $0xFFFFFFF8, v12;
	v11 =	vor.u32 v11, v13;
	v13 =	vand.u32 $0xFFFFFFF8, v14  }
0x13c: {  	s16 =	simm.s32 $0x2;
	v16 =	vand.u32 $0x7, v12;
	v12 =	vand.u32 $0x7, v14;
	v13 =	vadd.s32 v5, v13  }
0x13d: {  	v14 =	vadd.s32 s16, v7;
	v15 =	vadd.s32 v5, v15;
	v12 =	vor.u32 v12, v13  }
0x13e: {  	s24 =	simm.s32 $0x1;
	s21 =	simm.s32 $0x8;
	v13 =	vor.u32 v16, v15;
	v15 =	vand.u32 $0x7, v17;
	v16 =	vadd.s32 v5, v18  }
.LBB2_24:
0x13f: {  	p0 =	slt.u32 s21, $0x38;
	v17 =	vadd.s32 s24, v7;
	v18 =	vand.u32 $0xFFFFFFF8, v14;
	v15 =	vor.u32 v15, v16  }
0x140: {  	v14 =	vand.u32 $0x7, v14;
	v16 =	vld.idx.msk [tilespmem:v9+s25+$0x0], $0xffff;
	v9 =	vand.u32 $0xFFFFFFF8, v17;
	v18 =	vadd.s32 v5, v18  }
0x141: {  	v17 =	vand.u32 $0x7, v17;
	v9 =	vadd.s32 v5, v9;
	v14 =	vor.u32 v14, v18;
	v10 =	vld.idx.msk [tilespmem:v10+s25+$0x0], $0xffff  }
0x142: {  	v18 =	vor.u32 s11, v5;
	v17 =	vor.u32 v17, v9;
	v11 =	vld.idx.msk [tilespmem:v11+s25+$0x0], $0xffff  }
0x143: {  	v19 =	vor.u32 s12, v5;
	v9 =	vadd.s32 s21, v7;
	v13 =	vld.idx.msk [tilespmem:v13+s25+$0x0], $0xffff  }
0x144: {  	v20 =	vor.u32 s21, v5;
	v21 =	vor.u32 s13, v5;
	s11 =	sadd.s32 $0x7, s21;
	v9 =	vand.u32 $0xFFFFFFF8, v9;
	v12 =	vld.idx.msk [tilespmem:v12+s25+$0x0], $0xffff  }
0x145: {  	v23 =	vor.u32 s14, v5;
	v22 =	vadd.s32 s11, v7;
	v9 =	vadd.s32 v8, v9;
	v15 =	vld.idx.msk [tilespmem:v15+s25+$0x0], $0xffff  }
0x146: {  	s12 =	sadd.s32 $0x6, s21;
	v24 =	vand.u32 $0xFFFFFFF8, v22;
	v22 =	vand.u32 $0x7, v22;
	[tilespmem:v6+s18+$0x0] =	vst.idx.msk $0xffff, v16;
	v14 =	vld.idx.msk [tilespmem:v14+s25+$0x0], $0xffff;
	v16 =	vor.u32 s15, v5;
	v6 =	vmovc v20  }
0x147: {  	v25 =	vor.u32 s16, v5;
	v24 =	vadd.s32 v5, v24;
	v20 =	vadd.s32 s12, v7;
	v17 =	vld.idx.msk [tilespmem:v17+s25+$0x0], $0xffff;
	[tilespmem:v18+s18+$0x0] =	vst.idx.msk $0xffff, v10  }
0x148: {  	s13 =	sadd.s32 $0x5, s21;
	v18 =	vand.u32 $0xFFFFFFF8, v20;
	v10 =	vor.u32 v22, v24;
	v22 =	vor.u32 s24, v5;
	[tilespmem:v19+s18+$0x0] =	vst.idx.msk $0xffff, v11  }
0x149: {  	s14 =	sadd.s32 $0x4, s21;
	v19 =	vadd.s32 s13, v7;
	v11 =	vand.u32 $0x7, v20;
	v18 =	vadd.s32 v5, v18;
	[tilespmem:v21+s18+$0x0] =	vst.idx.msk $0xffff, v13  }
.Ltmp10:
0x14a: {  	v13 =	vadd.s32 s14, v7;
	v20 =	vand.u32 $0xFFFFFFF8, v19;
	v11 =	vor.u32 v11, v18;
	[tilespmem:v23+s18+$0x0] =	vst.idx.msk $0xffff, v12;
	(pc) =	sbr.rel @p0 .LBB2_24-.Ltmp10, $4  }
0x14b: {  	s15 =	sadd.s32 $0x3, s21;
	v18 =	vand.u32 $0x7, v19;
	v12 =	vand.u32 $0xFFFFFFF8, v13;
	v19 =	vadd.s32 v5, v20;
	[tilespmem:v16+s18+$0x0] =	vst.idx.msk $0xffff, v15  }
0x14c: {  	v13 =	vand.u32 $0x7, v13;
	v15 =	vadd.s32 s15, v7;
	v12 =	vadd.s32 v5, v12;
	[tilespmem:v25+s18+$0x0] =	vst.idx.msk $0xffff, v14  }
0x14d: {  	s16 =	sadd.s32 $0x2, s21;
	v16 =	vand.u32 $0xFFFFFFF8, v15;
	v12 =	vor.u32 v13, v12;
	v13 =	vor.u32 v18, v19;
	[tilespmem:v22+s18+$0x0] =	vst.idx.msk $0xffff, v17  }
0x14e: {  	s24 =	sadd.s32 $0x1, s21;
	s21 =	sadd.s32 $0x8, s21;
	v14 =	vadd.s32 s16, v7;
	v15 =	vand.u32 $0x7, v15;
	v16 =	vadd.s32 v5, v16  }
0x14f: {  	_ =	sdelay $0x1  }
0x150: {  	v7 =	vadd.s32 s24, v7  }
0x151: {  	v8 =	vand.u32 $0xFFFFFFF8, v14;
	v15 =	vor.u32 v15, v16;
	v60 =	vand.u32 $0x7, v14  }
0x152: {  	v9 =	vld.idx.msk [tilespmem:v9+s25+$0x0], $0xffff;
	v61 =	vor.u32 s11, v5;
	v59 =	vand.u32 $0xFFFFFFF8, v7;
	v8 =	vadd.s32 v5, v8  }
0x153: {  	v10 =	vld.idx.msk [tilespmem:v10+s25+$0x0], $0xffff;
	v7 =	vand.u32 $0x7, v7;
	v16 =	vadd.s32 v5, v59;
	v8 =	vor.u32 v60, v8  }
0x154: {  	v11 =	vld.idx.msk [tilespmem:v11+s25+$0x0], $0xffff;
	v62 =	vor.u32 s12, v5;
	v7 =	vor.u32 v7, v16  }
0x155: {  	v13 =	vld.idx.msk [tilespmem:v13+s25+$0x0], $0xffff;
	v17 =	vor.u32 s13, v5  }
0x156: {  	v12 =	vld.idx.msk [tilespmem:v12+s25+$0x0], $0xffff;
	v18 =	vor.u32 s14, v5  }
0x157: {  	v15 =	vld.idx.msk [tilespmem:v15+s25+$0x0], $0xffff;
	[tilespmem:v6+s18+$0x0] =	vst.idx.msk $0xffff, v9;
	v6 =	vor.u32 s15, v5  }
0x158: {  	v63 =	vor.u32 s16, v5;
	s10 =	sadd.s32 $0x1, s10;
	[tilespmem:v61+s18+$0x0] =	vst.idx.msk $0xffff, v10;
	v8 =	vld.idx.msk [tilespmem:v8+s25+$0x0], $0xffff  }
0x159: {  	p0 =	sne.s32 s10, $0x8;
	v5 =	vor.u32 s24, v5;
	[tilespmem:v62+s18+$0x0] =	vst.idx.msk $0xffff, v11;
	v7 =	vld.idx.msk [tilespmem:v7+s25+$0x0], $0xffff  }
.Ltmp11:
0x15a: {  	[tilespmem:v17+s18+$0x0] =	vst.idx.msk $0xffff, v13;
	(pc) =	sbr.rel @p0 .LBB2_23-.Ltmp11, $4  }
0x15b: {  	[tilespmem:v18+s18+$0x0] =	vst.idx.msk $0xffff, v12  }
0x15c: {  	[tilespmem:v6+s18+$0x0] =	vst.idx.msk $0xffff, v15  }
0x15d: {  	[tilespmem:v63+s18+$0x0] =	vst.idx.msk $0xffff, v8  }
0x15e: {  	[tilespmem:v5+s18+$0x0] =	vst.idx.msk $0xffff, v7  }
0x15f: {  	s11 =	simm.s32 $0x1A6F0  }
0x160: {  	v4 =	vld [tilespmem:s11+$0xFFFFFFF0]  }
0x161: {  	v5 =	vld [tilespmem:s11+$0xFFFFFF30]  }
0x162: {  	v6 =	vld [tilespmem:s11+$0xFFFFFF50]  }
0x163: {  	v7 =	vld [tilespmem:s11+$0xFFFFFF70]  }
0x164: {  	s9 =	simm.s32 $0x159F0;
	v8 =	vld [tilespmem:s11+$0xFFFFFF90]  }
0x165: {  	v9 =	vld [tilespmem:s11+$0xFFFFFFB0];
	[tilespmem:s9+$0xFFFFFFD0] =	vst v4  }
0x166: {  	[tilespmem:s9+$0xFFFFFCD0] =	vst v5;
	v5 =	vld [tilespmem:s11+$0xFFFFFFD0]  }
0x167: {  	s10 =	simm.s32 $0x1C6F0;
	[tilespmem:s9+$0xFFFFFD50] =	vst v6;
	v6 =	vld [tilespmem:s11+$0xFFFFFF10]  }
0x168: {  	[tilespmem:s9+$0xFFFFFDD0] =	vst v7;
	v4 =	vld [tilespmem:s10+$0xFFFFFFF0]  }
0x169: {  	[tilespmem:s9+$0xFFFFFE50] =	vst v8;
	v7 =	vld [tilespmem:s10+$0xFFFFFF30]  }
0x16a: {  	[tilespmem:s9+$0xFFFFFED0] =	vst v9;
	v8 =	vld [tilespmem:s10+$0xFFFFFF50]  }
0x16b: {  	v9 =	vld [tilespmem:s10+$0xFFFFFF70];
	[tilespmem:s9+$0xFFFFFF50] =	vst v5  }
0x16c: {  	[tilespmem:s9+$0xFFFFFC50] =	vst v6;
	v5 =	vld [tilespmem:s10+$0xFFFFFF90]  }
0x16d: {  	[tilespmem:s9+$0xFFFFFFF0] =	vst v4;
	v6 =	vld [tilespmem:s10+$0xFFFFFF10]  }
0x16e: {  	[tilespmem:s9+$0xFFFFFCF0] =	vst v7;
	v7 =	vld [tilespmem:s10+$0xFFFFFFB0]  }
0x16f: {  	[tilespmem:s9+$0xFFFFFD70] =	vst v8;
	v8 =	vld [tilespmem:s10+$0xFFFFFFD0]  }
0x170: {  	[tilespmem:s9+$0xFFFFFDF0] =	vst v9;
	v4 =	vld [tilespmem:s11+$0x0]  }
0x171: {  	v9 =	vld [tilespmem:s11+$0xFFFFFF40];
	[tilespmem:s9+$0xFFFFFE70] =	vst v5  }
0x172: {  	v5 =	vld [tilespmem:s11+$0xFFFFFF60];
	[tilespmem:s9+$0xFFFFFC70] =	vst v6  }
0x173: {  	[tilespmem:s9+$0xFFFFFEF0] =	vst v7;
	v7 =	vld [tilespmem:s11+$0xFFFFFF80]  }
0x174: {  	[tilespmem:s9+$0xFFFFFF70] =	vst v8;
	v6 =	vld [tilespmem:s11+$0xFFFFFF20]  }
0x175: {  	v8 =	vld [tilespmem:s11+$0xFFFFFFA0];
	[tilespmem:s9+$0xFFFFFFE0] =	vst v4  }
0x176: {  	[tilespmem:s9+$0xFFFFFCE0] =	vst v9;
	v4 =	vld [tilespmem:s10+$0x0]  }
0x177: {  	v9 =	vld [tilespmem:s11+$0xFFFFFFC0];
	[tilespmem:s9+$0xFFFFFD60] =	vst v5  }
0x178: {  	v10 =	vld [tilespmem:s11+$0xFFFFFFE0];
	[tilespmem:s9+$0xFFFFFDE0] =	vst v7  }
0x179: {  	v11 =	vld [tilespmem:s10+$0xFFFFFF40];
	[tilespmem:s9+$0xFFFFFC60] =	vst v6  }
0x17a: {  	[tilespmem:s9+$0xFFFFFE60] =	vst v8;
	v12 =	vld [tilespmem:s10+$0xFFFFFF20]  }
0x17b: {  	[tilespmem:s9+$0x0] =	vst v4;
	v4 =	vld [tilespmem:s10+$0xFFFFFF60]  }
0x17c: {  	v5 =	vld [tilespmem:s10+$0xFFFFFF80];
	[tilespmem:s9+$0xFFFFFEE0] =	vst v9  }
0x17d: {  	v6 =	vld [tilespmem:s10+$0xFFFFFFA0];
	[tilespmem:s9+$0xFFFFFF60] =	vst v10  }
0x17e: {  	[tilespmem:s9+$0xFFFFFD00] =	vst v11;
	v7 =	vld [tilespmem:s10+$0xFFFFFFC0]  }
0x17f: {  	s12 =	simm.s32 $0x1A7F0;
	s11 =	simm.s32 $0x0;
	v8 =	vld [tilespmem:s10+$0xFFFFFFE0];
	[tilespmem:s9+$0xFFFFFC80] =	vst v12  }
.LBB2_27:
0x180: {  	v9 =	vld [tilespmem:s12+$0xFFFFFFF0];
	s11 =	sadd.s32 $0x8, s11;
	[tilespmem:s9+$0xFFFFFD80] =	vst v4  }
0x181: {  	v4 =	vld [tilespmem:s12+$0xFFFFFF30];
	p0 =	slt.u32 s11, $0x78;
	[tilespmem:s9+$0xFFFFFE00] =	vst v5  }
0x182: {  	v5 =	vld [tilespmem:s12+$0xFFFFFF50];
	[tilespmem:s9+$0xFFFFFE80] =	vst v6  }
0x183: {  	v6 =	vld [tilespmem:s12+$0xFFFFFF70];
	[tilespmem:s9+$0xFFFFFF00] =	vst v7  }
0x184: {  	v7 =	vld [tilespmem:s12+$0xFFFFFF90];
	[tilespmem:s9+$0xFFFFFF80] =	vst v8;
	s9 =	sadd.s32 $0x400, s9  }
0x185: {  	s10 =	sadd.s32 $0x100, s10;
	v8 =	vld [tilespmem:s12+$0xFFFFFFB0];
	[tilespmem:s9+$0xFFFFFFD0] =	vst v9  }
0x186: {  	[tilespmem:s9+$0xFFFFFCD0] =	vst v4;
	v4 =	vld [tilespmem:s10+$0xFFFFFFF0]  }
0x187: {  	[tilespmem:s9+$0xFFFFFD50] =	vst v5;
	v5 =	vld [tilespmem:s12+$0xFFFFFFD0]  }
0x188: {  	v9 =	vld [tilespmem:s12+$0xFFFFFF10];
	[tilespmem:s9+$0xFFFFFDD0] =	vst v6  }
0x189: {  	v6 =	vld [tilespmem:s10+$0xFFFFFF30];
	[tilespmem:s9+$0xFFFFFE50] =	vst v7  }
0x18a: {  	v7 =	vld [tilespmem:s10+$0xFFFFFF50];
	[tilespmem:s9+$0xFFFFFED0] =	vst v8  }
0x18b: {  	v8 =	vld [tilespmem:s10+$0xFFFFFF70];
	[tilespmem:s9+$0xFFFFFFF0] =	vst v4  }
0x18c: {  	[tilespmem:s9+$0xFFFFFF50] =	vst v5;
	v4 =	vld [tilespmem:s12+$0x0]  }
0x18d: {  	[tilespmem:s9+$0xFFFFFC50] =	vst v9;
	v5 =	vld [tilespmem:s10+$0xFFFFFF90]  }
0x18e: {  	v9 =	vld [tilespmem:s10+$0xFFFFFF10];
	[tilespmem:s9+$0xFFFFFCF0] =	vst v6  }
0x18f: {  	[tilespmem:s9+$0xFFFFFD70] =	vst v7;
	v6 =	vld [tilespmem:s10+$0xFFFFFFB0]  }
0x190: {  	[tilespmem:s9+$0xFFFFFDF0] =	vst v8;
	v7 =	vld [tilespmem:s10+$0xFFFFFFD0]  }
0x191: {  	v8 =	vld [tilespmem:s12+$0xFFFFFF40];
	[tilespmem:s9+$0xFFFFFFE0] =	vst v4  }
0x192: {  	[tilespmem:s9+$0xFFFFFE70] =	vst v5;
	v4 =	vld [tilespmem:s10+$0x0]  }
0x193: {  	[tilespmem:s9+$0xFFFFFC70] =	vst v9;
	v5 =	vld [tilespmem:s12+$0xFFFFFF60]  }
0x194: {  	v9 =	vld [tilespmem:s12+$0xFFFFFF20];
	[tilespmem:s9+$0xFFFFFEF0] =	vst v6  }
0x195: {  	v6 =	vld [tilespmem:s12+$0xFFFFFF80];
	[tilespmem:s9+$0xFFFFFF70] =	vst v7  }
0x196: {  	[tilespmem:s9+$0xFFFFFCE0] =	vst v8;
	v7 =	vld [tilespmem:s12+$0xFFFFFFA0]  }
0x197: {  	v8 =	vld [tilespmem:s12+$0xFFFFFFC0];
	[tilespmem:s9+$0x0] =	vst v4  }
0x198: {  	[tilespmem:s9+$0xFFFFFD60] =	vst v5;
	v10 =	vld [tilespmem:s12+$0xFFFFFFE0]  }
0x199: {  	[tilespmem:s9+$0xFFFFFC60] =	vst v9;
	v9 =	vld [tilespmem:s10+$0xFFFFFF40]  }
0x19a: {  	v11 =	vld [tilespmem:s10+$0xFFFFFF20];
	[tilespmem:s9+$0xFFFFFDE0] =	vst v6  }
.Ltmp12:
0x19b: {  	v4 =	vld [tilespmem:s10+$0xFFFFFF60];
	[tilespmem:s9+$0xFFFFFE60] =	vst v7;
	(pc) =	sbr.rel @p0 .LBB2_27-.Ltmp12, $4  }
0x19c: {  	v5 =	vld [tilespmem:s10+$0xFFFFFF80];
	[tilespmem:s9+$0xFFFFFEE0] =	vst v8  }
0x19d: {  	v6 =	vld [tilespmem:s10+$0xFFFFFFA0];
	[tilespmem:s9+$0xFFFFFF60] =	vst v10  }
0x19e: {  	[tilespmem:s9+$0xFFFFFD00] =	vst v9;
	v7 =	vld [tilespmem:s10+$0xFFFFFFC0]  }
0x19f: {  	s12 =	sadd.s32 $0x100, s12;
	[tilespmem:s9+$0xFFFFFC80] =	vst v11;
	v8 =	vld [tilespmem:s10+$0xFFFFFFE0]  }
0x1a0: {  	[tilespmem:s9+$0xFFFFFD80] =	vst v4  }
0x1a1: {  	s8 =	sshll.u32 s8, $0xE;
	[tilespmem:s9+$0xFFFFFE00] =	vst v5  }
0x1a2: {  	s8 =	sadd.s32 s4, s8;
	[tilespmem:s9+$0xFFFFFE80] =	vst v6  }
0x1a3: {  	s8 =	sshrl.u32 s8, $0x3;
	[tilespmem:s9+$0xFFFFFF00] =	vst v7  }
0x1a4: {  	s8 =	sadd.s32 s2, s8;
	[tilespmem:s9+$0xFFFFFF80] =	vst v8  }
0x1a5: {  	[hbm4b:s8+s3] =	stream.linear.scatter [tilespmem:s18], [sflag:$0x4], $0x4000, $0x38;
	[tilespmem:$0x1D600] =	vst v63  }
0x1a6: {  	_ =	swait.ge [sflag:s20], $0x4000  }
0x1a7: {  	[sflag:s20] =	ssyncset.done $0x0  }
0x1a8: {  	s13 =	sadd.s32 $0x3300, s29;
	[sflag:s20] =	ssyncadd.s32 $0xFFFFC000  }
0x1a9: {  	[tilespmem:s19], [sflag:$0x1] =	stream.indirect.gather [hbm4b:s5+s17], $0x80, s13, s17, $0xb8;
	[tilespmem:$0x1D600] =	vst v63  }
0x1aa: {  	s14 =	sadd.s32 $0x6500, s29;
	s15 =	simm.s32 $0x19600  }
0x1ab: {  	[tilespmem:s15], [sflag:$0x1] =	stream.indirect.gather [hbm4b:s6+s17], $0x20, s14, s17, $0xb8;
	[tilespmem:$0x1D600] =	vst v63  }
0x1ac: {  	s16 =	sadd.s32 $0x7E00, s29  }
0x1ad: {  	[tilespmem:s23], [sflag:$0x1] =	stream.indirect.gather [hbm4b:s7+s17], $0x20, s16, s17, $0xb8;
	[tilespmem:$0x1D600] =	vst v63  }
0x1ae: {  	_ =	swait.ge [sflag:s22], $0x4000  }
0x1af: {  	s26 =	sadd.s32 $0x1, s26;
	[sflag:s22] =	ssyncset.done $0x0  }
0x1b0: {  	s21 =	sadd.s32 $0x3380, s29;
	p0 =	sne.s32 s26, $0x18;
	[sflag:s22] =	ssyncadd.s32 $0xFFFFC000  }
0x1b1: {  	[tilespmem:s25], [sflag:$0x2] =	stream.indirect.gather [hbm4b:s5+s17], $0x80, s21, s17, $0xb8;
	[tilespmem:$0x1D600] =	vst v63  }
.Ltmp13:
0x1b2: {  	_ = 	snop;
	(pc) =	sbr.rel @p0 .LBB2_16-.Ltmp13, $4  }
0x1b3: {  	s24 =	sadd.s32 $0x6580, s29  }
0x1b4: {  	[tilespmem:s28], [sflag:$0x2] =	stream.indirect.gather [hbm4b:s6+s17], $0x20, s24, s17, $0xb8;
	[tilespmem:$0x1D600] =	vst v63  }
0x1b5: {  	s29 =	sadd.s32 $0x7E80, s29  }
0x1b6: {  	[tilespmem:s30], [sflag:$0x2] =	stream.indirect.gather [hbm4b:s7+s17], $0x20, s29, s17, $0xb8;
	[tilespmem:$0x1D600] =	vst v63  }
0x1b7: {  	_ =	swait.ge [sflag:s31], $0x4000  }
0x1b8: {  	[sflag:s31] =	ssyncset.done $0x0  }
0x1b9: {  	[sflag:s31] =	ssyncadd.s32 $0xFFFFC000  }
0x1ba: {  	_ =	swait.ge [sflag:s31], $0x1000  }
0x1bb: {  	[sflag:s31] =	ssyncset.done $0x0  }
0x1bc: {  	[sflag:s31] =	ssyncadd.s32 $0xFFFFF000  }
0x1bd: {  	_ =	swait.ge [sflag:s31], $0x1000  }
0x1be: {  	s8 =	simm.s32 $0x0;
	s9 =	simm.s32 $0x0;
	[sflag:s31] =	ssyncset.done $0x0  }
0x1bf: {  	s24 =	simm.s32 $0x20;
	s26 =	simm.s32 $0x400;
	[sflag:s31] =	ssyncadd.s32 $0xFFFFF000  }
.LBB2_30:
0x1c0: {  	s10 =	sshll.u32 s9, $0x4  }
0x1c1: {  	v6 =	vld [tilespmem:s10+$0x6300];
	_ =	sdelay $0x2  }
0x1c2: {  	v4 =	vmov s10  }
0x1c3: {  	v4 =	vshll.u32 v4, $0x7  }
0x1c4: {  	s11 =	simm.s32 $0x6;
	s14 =	simm.s32 $0x3;
	s10 =	simm.s32 $0x7;
	v4 =	vor.u32 v3, v4;
	v5 =	vand.u32 $0x7, v6  }
0x1c5: {  	v8 =	vadd.s32 s10, v6;
	v12 =	vadd.s32 s11, v6;
	v16 =	vadd.s32 s14, v6  }
0x1c6: {  	v7 =	vor.u32 v5, v4;
	v5 =	vadd.s32 s8, v6;
	v10 =	vand.u32 $0xFFFFFFF8, v8  }
0x1c7: {  	v11 =	vand.u32 $0x7, v8;
	v13 =	vand.u32 $0xFFFFFFF8, v12;
	v17 =	vand.u32 $0xFFFFFFF8, v16  }
0x1c8: {  	s12 =	simm.s32 $0x5;
	v9 =	vand.u32 $0xFFFFFFF8, v5;
	v5 =	vor.u32 s8, v4;
	v10 =	vadd.s32 v4, v10  }
0x1c9: {  	s13 =	simm.s32 $0x4;
	v8 =	vadd.s32 v7, v9;
	v9 =	vor.u32 v11, v10;
	v11 =	vadd.s32 s12, v6  }
0x1ca: {  	v10 =	vand.u32 $0x7, v12;
	v12 =	vadd.s32 v4, v13;
	v13 =	vadd.s32 s13, v6  }
0x1cb: {  	v14 =	vand.u32 $0xFFFFFFF8, v11;
	v10 =	vor.u32 v10, v12;
	v12 =	vand.u32 $0xFFFFFFF8, v13  }
0x1cc: {  	s15 =	simm.s32 $0x2;
	v15 =	vand.u32 $0x7, v11;
	v11 =	vand.u32 $0x7, v13;
	v12 =	vadd.s32 v4, v12  }
0x1cd: {  	v13 =	vadd.s32 s15, v6;
	v14 =	vadd.s32 v4, v14;
	v11 =	vor.u32 v11, v12  }
0x1ce: {  	s16 =	simm.s32 $0x1;
	s21 =	simm.s32 $0x8;
	v12 =	vor.u32 v15, v14;
	v14 =	vand.u32 $0x7, v16;
	v15 =	vadd.s32 v4, v17  }
.LBB2_31:
0x1cf: {  	p0 =	slt.u32 s21, $0x38;
	v16 =	vadd.s32 s16, v6;
	v17 =	vand.u32 $0xFFFFFFF8, v13;
	v14 =	vor.u32 v14, v15  }
0x1d0: {  	v13 =	vand.u32 $0x7, v13;
	v15 =	vld.idx.msk [tilespmem:v8+s19+$0x0], $0xffff;
	v8 =	vand.u32 $0xFFFFFFF8, v16;
	v17 =	vadd.s32 v4, v17  }
0x1d1: {  	v16 =	vand.u32 $0x7, v16;
	v8 =	vadd.s32 v4, v8;
	v13 =	vor.u32 v13, v17;
	v9 =	vld.idx.msk [tilespmem:v9+s19+$0x0], $0xffff  }
0x1d2: {  	v17 =	vor.u32 s10, v4;
	v16 =	vor.u32 v16, v8;
	v10 =	vld.idx.msk [tilespmem:v10+s19+$0x0], $0xffff  }
0x1d3: {  	v18 =	vor.u32 s11, v4;
	v8 =	vadd.s32 s21, v6;
	v12 =	vld.idx.msk [tilespmem:v12+s19+$0x0], $0xffff  }
0x1d4: {  	v19 =	vor.u32 s21, v4;
	v20 =	vor.u32 s12, v4;
	s10 =	sadd.s32 $0x7, s21;
	v8 =	vand.u32 $0xFFFFFFF8, v8;
	v11 =	vld.idx.msk [tilespmem:v11+s19+$0x0], $0xffff  }
0x1d5: {  	v22 =	vor.u32 s13, v4;
	v21 =	vadd.s32 s10, v6;
	v8 =	vadd.s32 v7, v8;
	v14 =	vld.idx.msk [tilespmem:v14+s19+$0x0], $0xffff  }
0x1d6: {  	s11 =	sadd.s32 $0x6, s21;
	v23 =	vand.u32 $0xFFFFFFF8, v21;
	v21 =	vand.u32 $0x7, v21;
	[tilespmem:v5+s0+$0x0] =	vst.idx.msk $0xffff, v15;
	v13 =	vld.idx.msk [tilespmem:v13+s19+$0x0], $0xffff;
	v15 =	vor.u32 s14, v4;
	v5 =	vmovc v19  }
0x1d7: {  	v24 =	vor.u32 s15, v4;
	v23 =	vadd.s32 v4, v23;
	v19 =	vadd.s32 s11, v6;
	v16 =	vld.idx.msk [tilespmem:v16+s19+$0x0], $0xffff;
	[tilespmem:v17+s0+$0x0] =	vst.idx.msk $0xffff, v9  }
0x1d8: {  	s12 =	sadd.s32 $0x5, s21;
	v17 =	vand.u32 $0xFFFFFFF8, v19;
	v9 =	vor.u32 v21, v23;
	v21 =	vor.u32 s16, v4;
	[tilespmem:v18+s0+$0x0] =	vst.idx.msk $0xffff, v10  }
0x1d9: {  	s13 =	sadd.s32 $0x4, s21;
	v18 =	vadd.s32 s12, v6;
	v10 =	vand.u32 $0x7, v19;
	v17 =	vadd.s32 v4, v17;
	[tilespmem:v20+s0+$0x0] =	vst.idx.msk $0xffff, v12  }
.Ltmp14:
0x1da: {  	v12 =	vadd.s32 s13, v6;
	v19 =	vand.u32 $0xFFFFFFF8, v18;
	v10 =	vor.u32 v10, v17;
	[tilespmem:v22+s0+$0x0] =	vst.idx.msk $0xffff, v11;
	(pc) =	sbr.rel @p0 .LBB2_31-.Ltmp14, $4  }
0x1db: {  	s14 =	sadd.s32 $0x3, s21;
	v17 =	vand.u32 $0x7, v18;
	v11 =	vand.u32 $0xFFFFFFF8, v12;
	v18 =	vadd.s32 v4, v19;
	[tilespmem:v15+s0+$0x0] =	vst.idx.msk $0xffff, v14  }
0x1dc: {  	v12 =	vand.u32 $0x7, v12;
	v14 =	vadd.s32 s14, v6;
	v11 =	vadd.s32 v4, v11;
	[tilespmem:v24+s0+$0x0] =	vst.idx.msk $0xffff, v13  }
0x1dd: {  	s15 =	sadd.s32 $0x2, s21;
	v15 =	vand.u32 $0xFFFFFFF8, v14;
	v11 =	vor.u32 v12, v11;
	v12 =	vor.u32 v17, v18;
	[tilespmem:v21+s0+$0x0] =	vst.idx.msk $0xffff, v16  }
0x1de: {  	s16 =	sadd.s32 $0x1, s21;
	s21 =	sadd.s32 $0x8, s21;
	v13 =	vadd.s32 s15, v6;
	v14 =	vand.u32 $0x7, v14;
	v15 =	vadd.s32 v4, v15  }
0x1df: {  	_ =	sdelay $0x1  }
0x1e0: {  	v6 =	vadd.s32 s16, v6  }
0x1e1: {  	v7 =	vand.u32 $0xFFFFFFF8, v13;
	v14 =	vor.u32 v14, v15;
	v60 =	vand.u32 $0x7, v13  }
0x1e2: {  	v8 =	vld.idx.msk [tilespmem:v8+s19+$0x0], $0xffff;
	v61 =	vor.u32 s10, v4;
	v59 =	vand.u32 $0xFFFFFFF8, v6;
	v7 =	vadd.s32 v4, v7  }
0x1e3: {  	v9 =	vld.idx.msk [tilespmem:v9+s19+$0x0], $0xffff;
	v6 =	vand.u32 $0x7, v6;
	v15 =	vadd.s32 v4, v59;
	v7 =	vor.u32 v60, v7  }
0x1e4: {  	v10 =	vld.idx.msk [tilespmem:v10+s19+$0x0], $0xffff;
	v62 =	vor.u32 s11, v4;
	v6 =	vor.u32 v6, v15  }
0x1e5: {  	v12 =	vld.idx.msk [tilespmem:v12+s19+$0x0], $0xffff;
	v16 =	vor.u32 s12, v4  }
0x1e6: {  	v11 =	vld.idx.msk [tilespmem:v11+s19+$0x0], $0xffff;
	v17 =	vor.u32 s13, v4  }
0x1e7: {  	v14 =	vld.idx.msk [tilespmem:v14+s19+$0x0], $0xffff;
	[tilespmem:v5+s0+$0x0] =	vst.idx.msk $0xffff, v8;
	v5 =	vor.u32 s14, v4  }
0x1e8: {  	v63 =	vor.u32 s15, v4;
	s9 =	sadd.s32 $0x1, s9;
	[tilespmem:v61+s0+$0x0] =	vst.idx.msk $0xffff, v9;
	v7 =	vld.idx.msk [tilespmem:v7+s19+$0x0], $0xffff  }
0x1e9: {  	p0 =	sne.s32 s9, $0x8;
	v4 =	vor.u32 s16, v4;
	[tilespmem:v62+s0+$0x0] =	vst.idx.msk $0xffff, v10;
	v6 =	vld.idx.msk [tilespmem:v6+s19+$0x0], $0xffff  }
.Ltmp15:
0x1ea: {  	[tilespmem:v16+s0+$0x0] =	vst.idx.msk $0xffff, v12;
	(pc) =	sbr.rel @p0 .LBB2_30-.Ltmp15, $4  }
0x1eb: {  	[tilespmem:v17+s0+$0x0] =	vst.idx.msk $0xffff, v11  }
0x1ec: {  	[tilespmem:v5+s0+$0x0] =	vst.idx.msk $0xffff, v14  }
0x1ed: {  	[tilespmem:v63+s0+$0x0] =	vst.idx.msk $0xffff, v7  }
0x1ee: {  	[tilespmem:v4+s0+$0x0] =	vst.idx.msk $0xffff, v6  }
0x1ef: {  	s10 =	simm.s32 $0x19680  }
0x1f0: {  	v4 =	vld [tilespmem:s10+$0x60]  }
0x1f1: {  	v5 =	vld [tilespmem:s10+$0xFFFFFFA0]  }
0x1f2: {  	v6 =	vld [tilespmem:s10+$0xFFFFFFC0]  }
0x1f3: {  	v7 =	vld [tilespmem:s10+$0xFFFFFFE0]  }
0x1f4: {  	s8 =	simm.s32 $0x11840;
	v8 =	vld [tilespmem:s10+$0x0]  }
0x1f5: {  	v9 =	vld [tilespmem:s10+$0x20];
	[tilespmem:s8+$0x180] =	vst v4  }
0x1f6: {  	[tilespmem:s8+$0xFFFFFE80] =	vst v5;
	v5 =	vld [tilespmem:s10+$0x40]  }
0x1f7: {  	s9 =	simm.s32 $0x1B680;
	[tilespmem:s8+$0xFFFFFF00] =	vst v6;
	v6 =	vld [tilespmem:s10+$0xFFFFFF80]  }
0x1f8: {  	[tilespmem:s8+$0xFFFFFF80] =	vst v7;
	v4 =	vld [tilespmem:s9+$0x60]  }
0x1f9: {  	[tilespmem:s8+$0x0] =	vst v8;
	v7 =	vld [tilespmem:s9+$0xFFFFFFA0]  }
0x1fa: {  	[tilespmem:s8+$0x80] =	vst v9;
	v8 =	vld [tilespmem:s9+$0xFFFFFFC0]  }
0x1fb: {  	v9 =	vld [tilespmem:s9+$0xFFFFFFE0];
	[tilespmem:s8+$0x100] =	vst v5  }
0x1fc: {  	[tilespmem:s8+$0xFFFFFE00] =	vst v6;
	v5 =	vld [tilespmem:s9+$0x0]  }
0x1fd: {  	[tilespmem:s8+$0x1A0] =	vst v4;
	v6 =	vld [tilespmem:s9+$0xFFFFFF80]  }
0x1fe: {  	[tilespmem:s8+$0xFFFFFEA0] =	vst v7;
	v7 =	vld [tilespmem:s9+$0x20]  }
0x1ff: {  	[tilespmem:s8+$0xFFFFFF20] =	vst v8;
	v8 =	vld [tilespmem:s9+$0x40]  }
0x200: {  	[tilespmem:s8+$0xFFFFFFA0] =	vst v9;
	v4 =	vld [tilespmem:s10+$0x70]  }
0x201: {  	v9 =	vld [tilespmem:s10+$0xFFFFFFB0];
	[tilespmem:s8+$0x20] =	vst v5  }
0x202: {  	v5 =	vld [tilespmem:s10+$0xFFFFFFD0];
	[tilespmem:s8+$0xFFFFFE20] =	vst v6  }
0x203: {  	[tilespmem:s8+$0xA0] =	vst v7;
	v7 =	vld [tilespmem:s10+$0xFFFFFFF0]  }
0x204: {  	[tilespmem:s8+$0x120] =	vst v8;
	v6 =	vld [tilespmem:s10+$0xFFFFFF90]  }
0x205: {  	v8 =	vld [tilespmem:s10+$0x10];
	[tilespmem:s8+$0x190] =	vst v4  }
0x206: {  	[tilespmem:s8+$0xFFFFFE90] =	vst v9;
	v4 =	vld [tilespmem:s9+$0x70]  }
0x207: {  	v9 =	vld [tilespmem:s10+$0x30];
	[tilespmem:s8+$0xFFFFFF10] =	vst v5  }
0x208: {  	v10 =	vld [tilespmem:s10+$0x50];
	[tilespmem:s8+$0xFFFFFF90] =	vst v7  }
0x209: {  	v11 =	vld [tilespmem:s9+$0xFFFFFFB0];
	[tilespmem:s8+$0xFFFFFE10] =	vst v6  }
0x20a: {  	[tilespmem:s8+$0x10] =	vst v8;
	v12 =	vld [tilespmem:s9+$0xFFFFFF90]  }
0x20b: {  	[tilespmem:s8+$0x1B0] =	vst v4;
	v4 =	vld [tilespmem:s9+$0xFFFFFFD0]  }
0x20c: {  	v5 =	vld [tilespmem:s9+$0xFFFFFFF0];
	[tilespmem:s8+$0x90] =	vst v9  }
0x20d: {  	v6 =	vld [tilespmem:s9+$0x10];
	[tilespmem:s8+$0x110] =	vst v10  }
0x20e: {  	[tilespmem:s8+$0xFFFFFEB0] =	vst v11;
	v7 =	vld [tilespmem:s9+$0x30]  }
0x20f: {  	s11 =	simm.s32 $0x19780;
	s10 =	simm.s32 $0x0;
	v8 =	vld [tilespmem:s9+$0x50];
	[tilespmem:s8+$0xFFFFFE30] =	vst v12  }
.LBB2_34:
0x210: {  	v9 =	vld [tilespmem:s11+$0x60];
	s10 =	sadd.s32 $0x8, s10;
	[tilespmem:s8+$0xFFFFFF30] =	vst v4  }
0x211: {  	v4 =	vld [tilespmem:s11+$0xFFFFFFA0];
	p0 =	slt.u32 s10, $0x78;
	[tilespmem:s8+$0xFFFFFFB0] =	vst v5  }
0x212: {  	v5 =	vld [tilespmem:s11+$0xFFFFFFC0];
	[tilespmem:s8+$0x30] =	vst v6  }
0x213: {  	v6 =	vld [tilespmem:s11+$0xFFFFFFE0];
	[tilespmem:s8+$0xB0] =	vst v7  }
0x214: {  	v7 =	vld [tilespmem:s11+$0x0];
	[tilespmem:s8+$0x130] =	vst v8;
	s8 =	sadd.s32 $0x400, s8  }
0x215: {  	s9 =	sadd.s32 $0x100, s9;
	v8 =	vld [tilespmem:s11+$0x20];
	[tilespmem:s8+$0x180] =	vst v9  }
0x216: {  	[tilespmem:s8+$0xFFFFFE80] =	vst v4;
	v4 =	vld [tilespmem:s9+$0x60]  }
0x217: {  	[tilespmem:s8+$0xFFFFFF00] =	vst v5;
	v5 =	vld [tilespmem:s11+$0x40]  }
0x218: {  	v9 =	vld [tilespmem:s11+$0xFFFFFF80];
	[tilespmem:s8+$0xFFFFFF80] =	vst v6  }
0x219: {  	v6 =	vld [tilespmem:s9+$0xFFFFFFA0];
	[tilespmem:s8+$0x0] =	vst v7  }
0x21a: {  	v7 =	vld [tilespmem:s9+$0xFFFFFFC0];
	[tilespmem:s8+$0x80] =	vst v8  }
0x21b: {  	v8 =	vld [tilespmem:s9+$0xFFFFFFE0];
	[tilespmem:s8+$0x1A0] =	vst v4  }
0x21c: {  	[tilespmem:s8+$0x100] =	vst v5;
	v4 =	vld [tilespmem:s11+$0x70]  }
0x21d: {  	[tilespmem:s8+$0xFFFFFE00] =	vst v9;
	v5 =	vld [tilespmem:s9+$0x0]  }
0x21e: {  	v9 =	vld [tilespmem:s9+$0xFFFFFF80];
	[tilespmem:s8+$0xFFFFFEA0] =	vst v6  }
0x21f: {  	[tilespmem:s8+$0xFFFFFF20] =	vst v7;
	v6 =	vld [tilespmem:s9+$0x20]  }
0x220: {  	[tilespmem:s8+$0xFFFFFFA0] =	vst v8;
	v7 =	vld [tilespmem:s9+$0x40]  }
0x221: {  	v8 =	vld [tilespmem:s11+$0xFFFFFFB0];
	[tilespmem:s8+$0x190] =	vst v4  }
0x222: {  	[tilespmem:s8+$0x20] =	vst v5;
	v4 =	vld [tilespmem:s9+$0x70]  }
0x223: {  	[tilespmem:s8+$0xFFFFFE20] =	vst v9;
	v5 =	vld [tilespmem:s11+$0xFFFFFFD0]  }
0x224: {  	v9 =	vld [tilespmem:s11+$0xFFFFFF90];
	[tilespmem:s8+$0xA0] =	vst v6  }
0x225: {  	v6 =	vld [tilespmem:s11+$0xFFFFFFF0];
	[tilespmem:s8+$0x120] =	vst v7  }
0x226: {  	[tilespmem:s8+$0xFFFFFE90] =	vst v8;
	v7 =	vld [tilespmem:s11+$0x10]  }
0x227: {  	v8 =	vld [tilespmem:s11+$0x30];
	[tilespmem:s8+$0x1B0] =	vst v4  }
0x228: {  	[tilespmem:s8+$0xFFFFFF10] =	vst v5;
	v10 =	vld [tilespmem:s11+$0x50]  }
0x229: {  	[tilespmem:s8+$0xFFFFFE10] =	vst v9;
	v9 =	vld [tilespmem:s9+$0xFFFFFFB0]  }
0x22a: {  	v11 =	vld [tilespmem:s9+$0xFFFFFF90];
	[tilespmem:s8+$0xFFFFFF90] =	vst v6  }
.Ltmp16:
0x22b: {  	v4 =	vld [tilespmem:s9+$0xFFFFFFD0];
	[tilespmem:s8+$0x10] =	vst v7;
	(pc) =	sbr.rel @p0 .LBB2_34-.Ltmp16, $4  }
0x22c: {  	v5 =	vld [tilespmem:s9+$0xFFFFFFF0];
	[tilespmem:s8+$0x90] =	vst v8  }
0x22d: {  	v6 =	vld [tilespmem:s9+$0x10];
	[tilespmem:s8+$0x110] =	vst v10  }
0x22e: {  	[tilespmem:s8+$0xFFFFFEB0] =	vst v9;
	v7 =	vld [tilespmem:s9+$0x30]  }
0x22f: {  	s11 =	sadd.s32 $0x100, s11;
	[tilespmem:s8+$0xFFFFFE30] =	vst v11;
	v8 =	vld [tilespmem:s9+$0x50]  }
0x230: {  	[tilespmem:s8+$0xFFFFFF30] =	vst v4  }
0x231: {  	[tilespmem:s8+$0xFFFFFFB0] =	vst v5  }
0x232: {  	[tilespmem:s8+$0x30] =	vst v6  }
0x233: {  	[tilespmem:s8+$0xB0] =	vst v7  }
0x234: {  	[tilespmem:s8+$0x130] =	vst v8  }
0x235: {  	s8 =	simm.s32 $0x0;
	s9 =	rddreg [dreg:$0x6]  }
0x236: {  	[hbm4b:s9+s8] =	stream.linear.scatter [tilespmem:s0], [sflag:$0x3], $0x4000, $0x38;
	[tilespmem:$0x1D600] =	vst v63  }
0x237: {  	_ =	swait.ge [sflag:s1], $0x4000  }
0x238: {  	[sflag:s1] =	ssyncset.done $0x0  }
0x239: {  	[sflag:s1] =	ssyncadd.s32 $0xFFFFC000  }
0x23a: {  	_ =	swait.ge [sflag:s1], $0x1000  }
0x23b: {  	[sflag:s1] =	ssyncset.done $0x0  }
0x23c: {  	[sflag:s1] =	ssyncadd.s32 $0xFFFFF000  }
0x23d: {  	_ =	swait.ge [sflag:s1], $0x1000  }
0x23e: {  	[sflag:s1] =	ssyncset.done $0x0  }
0x23f: {  	s29 =	simm.s32 $0x5;
	s9 =	simm.s32 $0x0;
	[sflag:s1] =	ssyncadd.s32 $0xFFFFF000  }
.LBB2_36:
0x240: {  	s10 =	sshll.u32 s9, $0x4  }
0x241: {  	v6 =	vld [tilespmem:s10+$0x6380];
	_ =	sdelay $0x2  }
0x242: {  	v4 =	vmov s10  }
0x243: {  	v4 =	vshll.u32 v4, $0x7  }
0x244: {  	s11 =	simm.s32 $0x6;
	s14 =	simm.s32 $0x3;
	s10 =	simm.s32 $0x7;
	v4 =	vor.u32 v3, v4;
	v5 =	vand.u32 $0x7, v6  }
0x245: {  	v8 =	vadd.s32 s10, v6;
	v12 =	vadd.s32 s11, v6;
	v16 =	vadd.s32 s14, v6  }
0x246: {  	v7 =	vor.u32 v5, v4;
	v5 =	vadd.s32 s8, v6;
	v10 =	vand.u32 $0xFFFFFFF8, v8  }
0x247: {  	v11 =	vand.u32 $0x7, v8;
	v13 =	vand.u32 $0xFFFFFFF8, v12;
	v17 =	vand.u32 $0xFFFFFFF8, v16  }
0x248: {  	s12 =	simm.s32 $0x5;
	v9 =	vand.u32 $0xFFFFFFF8, v5;
	v5 =	vor.u32 s8, v4;
	v10 =	vadd.s32 v4, v10  }
0x249: {  	s13 =	simm.s32 $0x4;
	v8 =	vadd.s32 v7, v9;
	v9 =	vor.u32 v11, v10;
	v11 =	vadd.s32 s12, v6  }
0x24a: {  	v10 =	vand.u32 $0x7, v12;
	v12 =	vadd.s32 v4, v13;
	v13 =	vadd.s32 s13, v6  }
0x24b: {  	v14 =	vand.u32 $0xFFFFFFF8, v11;
	v10 =	vor.u32 v10, v12;
	v12 =	vand.u32 $0xFFFFFFF8, v13  }
0x24c: {  	s15 =	simm.s32 $0x2;
	v15 =	vand.u32 $0x7, v11;
	v11 =	vand.u32 $0x7, v13;
	v12 =	vadd.s32 v4, v12  }
0x24d: {  	v13 =	vadd.s32 s15, v6;
	v14 =	vadd.s32 v4, v14;
	v11 =	vor.u32 v11, v12  }
0x24e: {  	s16 =	simm.s32 $0x1;
	s21 =	simm.s32 $0x8;
	v12 =	vor.u32 v15, v14;
	v14 =	vand.u32 $0x7, v16;
	v15 =	vadd.s32 v4, v17  }
.LBB2_37:
0x24f: {  	p0 =	slt.u32 s21, $0x38;
	v16 =	vadd.s32 s16, v6;
	v17 =	vand.u32 $0xFFFFFFF8, v13;
	v14 =	vor.u32 v14, v15  }
0x250: {  	v13 =	vand.u32 $0x7, v13;
	v15 =	vld.idx.msk [tilespmem:v8+s25+$0x0], $0xffff;
	v8 =	vand.u32 $0xFFFFFFF8, v16;
	v17 =	vadd.s32 v4, v17  }
0x251: {  	v16 =	vand.u32 $0x7, v16;
	v8 =	vadd.s32 v4, v8;
	v13 =	vor.u32 v13, v17;
	v9 =	vld.idx.msk [tilespmem:v9+s25+$0x0], $0xffff  }
0x252: {  	v17 =	vor.u32 s10, v4;
	v16 =	vor.u32 v16, v8;
	v10 =	vld.idx.msk [tilespmem:v10+s25+$0x0], $0xffff  }
0x253: {  	v18 =	vor.u32 s11, v4;
	v8 =	vadd.s32 s21, v6;
	v12 =	vld.idx.msk [tilespmem:v12+s25+$0x0], $0xffff  }
0x254: {  	v19 =	vor.u32 s21, v4;
	v20 =	vor.u32 s12, v4;
	s10 =	sadd.s32 $0x7, s21;
	v8 =	vand.u32 $0xFFFFFFF8, v8;
	v11 =	vld.idx.msk [tilespmem:v11+s25+$0x0], $0xffff  }
0x255: {  	v22 =	vor.u32 s13, v4;
	v21 =	vadd.s32 s10, v6;
	v8 =	vadd.s32 v7, v8;
	v14 =	vld.idx.msk [tilespmem:v14+s25+$0x0], $0xffff  }
0x256: {  	s11 =	sadd.s32 $0x6, s21;
	v23 =	vand.u32 $0xFFFFFFF8, v21;
	v21 =	vand.u32 $0x7, v21;
	[tilespmem:v5+s18+$0x0] =	vst.idx.msk $0xffff, v15;
	v13 =	vld.idx.msk [tilespmem:v13+s25+$0x0], $0xffff;
	v15 =	vor.u32 s14, v4;
	v5 =	vmovc v19  }
0x257: {  	v24 =	vor.u32 s15, v4;
	v23 =	vadd.s32 v4, v23;
	v19 =	vadd.s32 s11, v6;
	v16 =	vld.idx.msk [tilespmem:v16+s25+$0x0], $0xffff;
	[tilespmem:v17+s18+$0x0] =	vst.idx.msk $0xffff, v9  }
0x258: {  	s12 =	sadd.s32 $0x5, s21;
	v17 =	vand.u32 $0xFFFFFFF8, v19;
	v9 =	vor.u32 v21, v23;
	v21 =	vor.u32 s16, v4;
	[tilespmem:v18+s18+$0x0] =	vst.idx.msk $0xffff, v10  }
0x259: {  	s13 =	sadd.s32 $0x4, s21;
	v18 =	vadd.s32 s12, v6;
	v10 =	vand.u32 $0x7, v19;
	v17 =	vadd.s32 v4, v17;
	[tilespmem:v20+s18+$0x0] =	vst.idx.msk $0xffff, v12  }
.Ltmp17:
0x25a: {  	v12 =	vadd.s32 s13, v6;
	v19 =	vand.u32 $0xFFFFFFF8, v18;
	v10 =	vor.u32 v10, v17;
	[tilespmem:v22+s18+$0x0] =	vst.idx.msk $0xffff, v11;
	(pc) =	sbr.rel @p0 .LBB2_37-.Ltmp17, $4  }
0x25b: {  	s14 =	sadd.s32 $0x3, s21;
	v17 =	vand.u32 $0x7, v18;
	v11 =	vand.u32 $0xFFFFFFF8, v12;
	v18 =	vadd.s32 v4, v19;
	[tilespmem:v15+s18+$0x0] =	vst.idx.msk $0xffff, v14  }
0x25c: {  	v12 =	vand.u32 $0x7, v12;
	v14 =	vadd.s32 s14, v6;
	v11 =	vadd.s32 v4, v11;
	[tilespmem:v24+s18+$0x0] =	vst.idx.msk $0xffff, v13  }
0x25d: {  	s15 =	sadd.s32 $0x2, s21;
	v15 =	vand.u32 $0xFFFFFFF8, v14;
	v11 =	vor.u32 v12, v11;
	v12 =	vor.u32 v17, v18;
	[tilespmem:v21+s18+$0x0] =	vst.idx.msk $0xffff, v16  }
0x25e: {  	s16 =	sadd.s32 $0x1, s21;
	s21 =	sadd.s32 $0x8, s21;
	v13 =	vadd.s32 s15, v6;
	v14 =	vand.u32 $0x7, v14;
	v15 =	vadd.s32 v4, v15  }
0x25f: {  	_ =	sdelay $0x1  }
0x260: {  	v6 =	vadd.s32 s16, v6  }
0x261: {  	v7 =	vand.u32 $0xFFFFFFF8, v13;
	v14 =	vor.u32 v14, v15;
	v60 =	vand.u32 $0x7, v13  }
0x262: {  	v8 =	vld.idx.msk [tilespmem:v8+s25+$0x0], $0xffff;
	v61 =	vor.u32 s10, v4;
	v59 =	vand.u32 $0xFFFFFFF8, v6;
	v7 =	vadd.s32 v4, v7  }
0x263: {  	v9 =	vld.idx.msk [tilespmem:v9+s25+$0x0], $0xffff;
	v6 =	vand.u32 $0x7, v6;
	v15 =	vadd.s32 v4, v59;
	v7 =	vor.u32 v60, v7  }
0x264: {  	v10 =	vld.idx.msk [tilespmem:v10+s25+$0x0], $0xffff;
	v62 =	vor.u32 s11, v4;
	v6 =	vor.u32 v6, v15  }
0x265: {  	v12 =	vld.idx.msk [tilespmem:v12+s25+$0x0], $0xffff;
	v16 =	vor.u32 s12, v4  }
0x266: {  	v11 =	vld.idx.msk [tilespmem:v11+s25+$0x0], $0xffff;
	v17 =	vor.u32 s13, v4  }
0x267: {  	v14 =	vld.idx.msk [tilespmem:v14+s25+$0x0], $0xffff;
	[tilespmem:v5+s18+$0x0] =	vst.idx.msk $0xffff, v8;
	v5 =	vor.u32 s14, v4  }
0x268: {  	v63 =	vor.u32 s15, v4;
	s9 =	sadd.s32 $0x1, s9;
	[tilespmem:v61+s18+$0x0] =	vst.idx.msk $0xffff, v9;
	v7 =	vld.idx.msk [tilespmem:v7+s25+$0x0], $0xffff  }
0x269: {  	p0 =	sne.s32 s9, $0x8;
	v4 =	vor.u32 s16, v4;
	[tilespmem:v62+s18+$0x0] =	vst.idx.msk $0xffff, v10;
	v6 =	vld.idx.msk [tilespmem:v6+s25+$0x0], $0xffff  }
.Ltmp18:
0x26a: {  	[tilespmem:v16+s18+$0x0] =	vst.idx.msk $0xffff, v12;
	(pc) =	sbr.rel @p0 .LBB2_36-.Ltmp18, $4  }
0x26b: {  	[tilespmem:v17+s18+$0x0] =	vst.idx.msk $0xffff, v11  }
0x26c: {  	[tilespmem:v5+s18+$0x0] =	vst.idx.msk $0xffff, v14  }
0x26d: {  	[tilespmem:v63+s18+$0x0] =	vst.idx.msk $0xffff, v7  }
0x26e: {  	[tilespmem:v4+s18+$0x0] =	vst.idx.msk $0xffff, v6  }
0x26f: {  	s10 =	simm.s32 $0x1A6F0  }
0x270: {  	v4 =	vld [tilespmem:s10+$0xFFFFFFF0]  }
0x271: {  	v5 =	vld [tilespmem:s10+$0xFFFFFF30]  }
0x272: {  	v6 =	vld [tilespmem:s10+$0xFFFFFF50]  }
0x273: {  	v7 =	vld [tilespmem:s10+$0xFFFFFF70]  }
0x274: {  	s8 =	simm.s32 $0x159F0;
	v8 =	vld [tilespmem:s10+$0xFFFFFF90]  }
0x275: {  	v9 =	vld [tilespmem:s10+$0xFFFFFFB0];
	[tilespmem:s8+$0xFFFFFFD0] =	vst v4  }
0x276: {  	[tilespmem:s8+$0xFFFFFCD0] =	vst v5;
	v5 =	vld [tilespmem:s10+$0xFFFFFFD0]  }
0x277: {  	s9 =	simm.s32 $0x1C6F0;
	[tilespmem:s8+$0xFFFFFD50] =	vst v6;
	v6 =	vld [tilespmem:s10+$0xFFFFFF10]  }
0x278: {  	[tilespmem:s8+$0xFFFFFDD0] =	vst v7;
	v4 =	vld [tilespmem:s9+$0xFFFFFFF0]  }
0x279: {  	[tilespmem:s8+$0xFFFFFE50] =	vst v8;
	v7 =	vld [tilespmem:s9+$0xFFFFFF30]  }
0x27a: {  	[tilespmem:s8+$0xFFFFFED0] =	vst v9;
	v8 =	vld [tilespmem:s9+$0xFFFFFF50]  }
0x27b: {  	v9 =	vld [tilespmem:s9+$0xFFFFFF70];
	[tilespmem:s8+$0xFFFFFF50] =	vst v5  }
0x27c: {  	[tilespmem:s8+$0xFFFFFC50] =	vst v6;
	v5 =	vld [tilespmem:s9+$0xFFFFFF90]  }
0x27d: {  	[tilespmem:s8+$0xFFFFFFF0] =	vst v4;
	v6 =	vld [tilespmem:s9+$0xFFFFFF10]  }
0x27e: {  	[tilespmem:s8+$0xFFFFFCF0] =	vst v7;
	v7 =	vld [tilespmem:s9+$0xFFFFFFB0]  }
0x27f: {  	[tilespmem:s8+$0xFFFFFD70] =	vst v8;
	v8 =	vld [tilespmem:s9+$0xFFFFFFD0]  }
0x280: {  	[tilespmem:s8+$0xFFFFFDF0] =	vst v9;
	v4 =	vld [tilespmem:s10+$0x0]  }
0x281: {  	v9 =	vld [tilespmem:s10+$0xFFFFFF40];
	[tilespmem:s8+$0xFFFFFE70] =	vst v5  }
0x282: {  	v5 =	vld [tilespmem:s10+$0xFFFFFF60];
	[tilespmem:s8+$0xFFFFFC70] =	vst v6  }
0x283: {  	[tilespmem:s8+$0xFFFFFEF0] =	vst v7;
	v7 =	vld [tilespmem:s10+$0xFFFFFF80]  }
0x284: {  	[tilespmem:s8+$0xFFFFFF70] =	vst v8;
	v6 =	vld [tilespmem:s10+$0xFFFFFF20]  }
0x285: {  	v8 =	vld [tilespmem:s10+$0xFFFFFFA0];
	[tilespmem:s8+$0xFFFFFFE0] =	vst v4  }
0x286: {  	[tilespmem:s8+$0xFFFFFCE0] =	vst v9;
	v4 =	vld [tilespmem:s9+$0x0]  }
0x287: {  	v9 =	vld [tilespmem:s10+$0xFFFFFFC0];
	[tilespmem:s8+$0xFFFFFD60] =	vst v5  }
0x288: {  	v10 =	vld [tilespmem:s10+$0xFFFFFFE0];
	[tilespmem:s8+$0xFFFFFDE0] =	vst v7  }
0x289: {  	v11 =	vld [tilespmem:s9+$0xFFFFFF40];
	[tilespmem:s8+$0xFFFFFC60] =	vst v6  }
0x28a: {  	[tilespmem:s8+$0xFFFFFE60] =	vst v8;
	v12 =	vld [tilespmem:s9+$0xFFFFFF20]  }
0x28b: {  	[tilespmem:s8+$0x0] =	vst v4;
	v4 =	vld [tilespmem:s9+$0xFFFFFF60]  }
0x28c: {  	v5 =	vld [tilespmem:s9+$0xFFFFFF80];
	[tilespmem:s8+$0xFFFFFEE0] =	vst v9  }
0x28d: {  	v6 =	vld [tilespmem:s9+$0xFFFFFFA0];
	[tilespmem:s8+$0xFFFFFF60] =	vst v10  }
0x28e: {  	[tilespmem:s8+$0xFFFFFD00] =	vst v11;
	v7 =	vld [tilespmem:s9+$0xFFFFFFC0]  }
0x28f: {  	s11 =	simm.s32 $0x1A7F0;
	s10 =	simm.s32 $0x0;
	v8 =	vld [tilespmem:s9+$0xFFFFFFE0];
	[tilespmem:s8+$0xFFFFFC80] =	vst v12  }
.LBB2_40:
0x290: {  	v9 =	vld [tilespmem:s11+$0xFFFFFFF0];
	s10 =	sadd.s32 $0x8, s10;
	[tilespmem:s8+$0xFFFFFD80] =	vst v4  }
0x291: {  	v4 =	vld [tilespmem:s11+$0xFFFFFF30];
	p0 =	slt.u32 s10, $0x78;
	[tilespmem:s8+$0xFFFFFE00] =	vst v5  }
0x292: {  	v5 =	vld [tilespmem:s11+$0xFFFFFF50];
	[tilespmem:s8+$0xFFFFFE80] =	vst v6  }
0x293: {  	v6 =	vld [tilespmem:s11+$0xFFFFFF70];
	[tilespmem:s8+$0xFFFFFF00] =	vst v7  }
0x294: {  	v7 =	vld [tilespmem:s11+$0xFFFFFF90];
	[tilespmem:s8+$0xFFFFFF80] =	vst v8;
	s8 =	sadd.s32 $0x400, s8  }
0x295: {  	s9 =	sadd.s32 $0x100, s9;
	v8 =	vld [tilespmem:s11+$0xFFFFFFB0];
	[tilespmem:s8+$0xFFFFFFD0] =	vst v9  }
0x296: {  	[tilespmem:s8+$0xFFFFFCD0] =	vst v4;
	v4 =	vld [tilespmem:s9+$0xFFFFFFF0]  }
0x297: {  	[tilespmem:s8+$0xFFFFFD50] =	vst v5;
	v5 =	vld [tilespmem:s11+$0xFFFFFFD0]  }
0x298: {  	v9 =	vld [tilespmem:s11+$0xFFFFFF10];
	[tilespmem:s8+$0xFFFFFDD0] =	vst v6  }
0x299: {  	v6 =	vld [tilespmem:s9+$0xFFFFFF30];
	[tilespmem:s8+$0xFFFFFE50] =	vst v7  }
0x29a: {  	v7 =	vld [tilespmem:s9+$0xFFFFFF50];
	[tilespmem:s8+$0xFFFFFED0] =	vst v8  }
0x29b: {  	v8 =	vld [tilespmem:s9+$0xFFFFFF70];
	[tilespmem:s8+$0xFFFFFFF0] =	vst v4  }
0x29c: {  	[tilespmem:s8+$0xFFFFFF50] =	vst v5;
	v4 =	vld [tilespmem:s11+$0x0]  }
0x29d: {  	[tilespmem:s8+$0xFFFFFC50] =	vst v9;
	v5 =	vld [tilespmem:s9+$0xFFFFFF90]  }
0x29e: {  	v9 =	vld [tilespmem:s9+$0xFFFFFF10];
	[tilespmem:s8+$0xFFFFFCF0] =	vst v6  }
0x29f: {  	[tilespmem:s8+$0xFFFFFD70] =	vst v7;
	v6 =	vld [tilespmem:s9+$0xFFFFFFB0]  }
0x2a0: {  	[tilespmem:s8+$0xFFFFFDF0] =	vst v8;
	v7 =	vld [tilespmem:s9+$0xFFFFFFD0]  }
0x2a1: {  	v8 =	vld [tilespmem:s11+$0xFFFFFF40];
	[tilespmem:s8+$0xFFFFFFE0] =	vst v4  }
0x2a2: {  	[tilespmem:s8+$0xFFFFFE70] =	vst v5;
	v4 =	vld [tilespmem:s9+$0x0]  }
0x2a3: {  	[tilespmem:s8+$0xFFFFFC70] =	vst v9;
	v5 =	vld [tilespmem:s11+$0xFFFFFF60]  }
0x2a4: {  	v9 =	vld [tilespmem:s11+$0xFFFFFF20];
	[tilespmem:s8+$0xFFFFFEF0] =	vst v6  }
0x2a5: {  	v6 =	vld [tilespmem:s11+$0xFFFFFF80];
	[tilespmem:s8+$0xFFFFFF70] =	vst v7  }
0x2a6: {  	[tilespmem:s8+$0xFFFFFCE0] =	vst v8;
	v7 =	vld [tilespmem:s11+$0xFFFFFFA0]  }
0x2a7: {  	v8 =	vld [tilespmem:s11+$0xFFFFFFC0];
	[tilespmem:s8+$0x0] =	vst v4  }
0x2a8: {  	[tilespmem:s8+$0xFFFFFD60] =	vst v5;
	v10 =	vld [tilespmem:s11+$0xFFFFFFE0]  }
0x2a9: {  	[tilespmem:s8+$0xFFFFFC60] =	vst v9;
	v9 =	vld [tilespmem:s9+$0xFFFFFF40]  }
0x2aa: {  	v11 =	vld [tilespmem:s9+$0xFFFFFF20];
	[tilespmem:s8+$0xFFFFFDE0] =	vst v6  }
.Ltmp19:
0x2ab: {  	v4 =	vld [tilespmem:s9+$0xFFFFFF60];
	[tilespmem:s8+$0xFFFFFE60] =	vst v7;
	(pc) =	sbr.rel @p0 .LBB2_40-.Ltmp19, $4  }
0x2ac: {  	v5 =	vld [tilespmem:s9+$0xFFFFFF80];
	[tilespmem:s8+$0xFFFFFEE0] =	vst v8  }
0x2ad: {  	v6 =	vld [tilespmem:s9+$0xFFFFFFA0];
	[tilespmem:s8+$0xFFFFFF60] =	vst v10  }
0x2ae: {  	[tilespmem:s8+$0xFFFFFD00] =	vst v9;
	v7 =	vld [tilespmem:s9+$0xFFFFFFC0]  }
0x2af: {  	s11 =	sadd.s32 $0x100, s11;
	[tilespmem:s8+$0xFFFFFC80] =	vst v11;
	v8 =	vld [tilespmem:s9+$0xFFFFFFE0]  }
0x2b0: {  	[tilespmem:s8+$0xFFFFFD80] =	vst v4  }
0x2b1: {  	[tilespmem:s8+$0xFFFFFE00] =	vst v5  }
0x2b2: {  	[tilespmem:s8+$0xFFFFFE80] =	vst v6  }
0x2b3: {  	[tilespmem:s8+$0xFFFFFF00] =	vst v7  }
0x2b4: {  	[tilespmem:s8+$0xFFFFFF80] =	vst v8  }
0x2b5: {  	s8 =	rddreg [dreg:$0x7]  }
0x2b6: {  	[hbm4b:s8+s3] =	stream.linear.scatter [tilespmem:s18], [sflag:$0x4], $0x4000, $0x38;
	[tilespmem:$0x1D600] =	vst v63  }
0x2b7: {  	_ =	swait.ge [sflag:s20], $0x4000  }
0x2b8: {  	[sflag:s20] =	ssyncset.done $0x0  }
0x2b9: {  	[sflag:s20] =	ssyncadd.s32 $0xFFFFC000  }
0x2ba: {  	_ =	swait.ge [sflag:s22], $0x4000  }
0x2bb: {  	s9 =	rddreg [dreg:$0x9]  }
0x2bc: {  	s21 =	rddreg [dreg:$0x8];
	s9 =	sadd.s32 $0x1, s9  }
0x2bd: {  	p0 =	sne.s32 s9, s21  }
.Ltmp20:
0x2be: {  	_ = 	snop;
	(pc) =	sbr.rel @p0 .LBB2_1-.Ltmp20, $3  }
0x2bf: {  	_ =	sdelay $0x1  }
0x2c0: {  	[sflag:s22] =	ssyncset.done $0x0  }
0x2c1: {  	[sflag:s22] =	ssyncadd.s32 $0xFFFFC000  }
0x2c2: {  	_ =	sfence.sel $0x180000  }
0x2c3: {  	[bflag:$0x0] =	sbarrier.arrive $0xFFFF  }
0x2c4: {  	_ =	strace $0x90000047  }
0x2c5: {  	s0 =	stileid.u32;
	[bflag:$0x2] =	sbarrier.arrive $0xFFFF  }
0x2c6: {  	p0 =	sne.s32 s0, $0x0;
	s0 =	rddreg [dreg:$0x2]  }
0x2c7: {  	s0 =	sadd.s32 @!p0 $0x100000, s0  }
0x2c8: {  	[sflag:s0] =	ssyncadd.tile.s32 @!p0 $0x1;
	_ =	shalt  }
.Lfunc_end2:
_tile_overlayer_lowered:
.L_overlay_start_2:
0x2c9: {  	(tag) =	ssettag $0x2  }
0x2ca: {  	s0 =	rddreg [dreg:$0x0];
	s2 =	stileid.u32  }
0x2cb: {  	s1 =	rddreg [dreg:$0x1];
	p0 =	sne.s32 s2, $0x0  }
0x2cc: {  	s3 =	rddreg [dreg:$0x2];
	[bflag:$0x3] =	sbarrier.arrive $0xFFFF;
	s2 =	simm.s32 @!p0 $0x1C05  }
0x2cd: {  	[timem:s3], [sflag:s2] =	dma.local @!p0 [hbm:s0], s1  }
0x2ce: {  	s0 =	simm.s32 @!p0 $0x5  }
0x2cf: {  	_ =	swait.ge @!p0 [sflag:s0], s1  }
0x2d0: {  	s1 =	ssub.s32 @!p0 $0x0, s1;
	[sflag:s0] =	ssyncset.done @!p0 $0x0  }
0x2d1: {  	[sflag:s0] =	ssyncadd.s32 @!p0 s1  }
0x2d2: {  	[bflag:$0x3] =	sbarrier.arrive $0xFFFF  }
0x2d3: {  	_ =	shalt  }

</sc_bundles>
